<compile_context>
chip_gen: v7x
topology: tpu7x:2x2x1
jax: 0.10.2.dev20260603
libtpu: 0.0.44.dev20260713+nightly
codegen_flags: <defaults>
</compile_context>

<pallas_src>
import functools

import jax
import jax.numpy as jnp
from jax import lax
from jax.experimental import pallas as pl
from jax.experimental.pallas import tpu as pltpu
from jax.experimental.pallas import tpu_sc as plsc

N_NODES = 10000
N_EDGES = 320000
HIDDEN = 128

NC, NS = 2, 16
NW = NC * NS
NPAD = 10240
CHUNK = 128
CPT = 80
EPAD = NW * CPT * CHUNK
RPT = NPAD // NS


_DEG_OUT = jax.ShapeDtypeStruct((NC * NPAD, HIDDEN), jnp.float32)
_DEG_SCRATCH = [
    pltpu.VMEM((CPT, CHUNK), jnp.int32),
    pltpu.VMEM((CHUNK, HIDDEN), jnp.float32),
    pltpu.VMEM_SHARED((NPAD, HIDDEN), jnp.float32),
    pltpu.SemaphoreType.DMA,
]


def _sc_deg_body(dst_hbm, ones_hbm, zeros_hbm, degp_hbm, didx_v, ones_v, deg_sh, sem):
    cid = lax.axis_index("c")
    sid = lax.axis_index("s")
    wid = sid * NC + cid
    pltpu.sync_copy(dst_hbm.at[pl.ds(wid * CPT, CPT)], didx_v)
    pltpu.sync_copy(ones_hbm, ones_v)
    pltpu.sync_copy(zeros_hbm.at[pl.ds(sid * RPT, RPT)], deg_sh.at[pl.ds(sid * RPT, RPT)])
    plsc.subcore_barrier()

    def fire(i, _):
        pltpu.async_copy(ones_v, deg_sh.at[didx_v.at[i]], sem, add=True)
        return 0

    lax.fori_loop(0, CPT, fire, 0)

    def drain(i, _):
        pltpu.make_async_copy(ones_v, deg_sh.at[didx_v.at[i]], sem).wait()
        return 0

    lax.fori_loop(0, CPT, drain, 0)
    plsc.subcore_barrier()
    pltpu.sync_copy(deg_sh.at[pl.ds(sid * RPT, RPT)],
                    degp_hbm.at[pl.ds(cid * NPAD + sid * RPT, RPT)])



IB = 16
NIB = CPT // IB

_SCAT_OUT = jax.ShapeDtypeStruct((NC * NPAD, HIDDEN), jnp.float32)
_SCAT_SCRATCH = [
    pltpu.VMEM((IB, CHUNK), jnp.int32),
    pltpu.VMEM((IB, CHUNK), jnp.int32),
    pltpu.VMEM((2, CHUNK, HIDDEN), jnp.float32),
    pltpu.VMEM_SHARED((NPAD, HIDDEN), jnp.float32),
    pltpu.SemaphoreType.DMA,
    pltpu.SemaphoreType.DMA,
]


def _sc_scatter_body(src_hbm, dst_hbm, y_hbm, zeros_hbm, accp_hbm,
                     sidx_v, didx_v, rows_v, acc_sh, sem0, sem1):
    cid = lax.axis_index("c")
    sid = lax.axis_index("s")
    wid = sid * NC + cid
    pltpu.sync_copy(zeros_hbm.at[pl.ds(sid * RPT, RPT)], acc_sh.at[pl.ds(sid * RPT, RPT)])
    plsc.subcore_barrier()

    sems_g = (sem0, sem1)

    def gather_start(ci, b):
        pltpu.async_copy(y_hbm.at[sidx_v.at[ci]], rows_v.at[b], sems_g[b])

    def gather_wait(ci, b):
        pltpu.make_async_copy(y_hbm.at[sidx_v.at[ci]], rows_v.at[b], sems_g[b]).wait()

    def blk(bi, _):
        boff = wid * CPT + bi * IB
        pltpu.sync_copy(src_hbm.at[pl.ds(boff, IB)], sidx_v)
        pltpu.sync_copy(dst_hbm.at[pl.ds(boff, IB)], didx_v)
        gather_start(0, 0)

        def body(g, _):
            c0 = g * 2
            gather_wait(c0, 0)
            gather_start(c0 + 1, 1)
            pltpu.sync_copy(rows_v.at[0], acc_sh.at[didx_v.at[c0]], add=True)
            gather_wait(c0 + 1, 1)

            @pl.when(c0 + 2 < IB)
            def _():
                gather_start(c0 + 2, 0)

            pltpu.sync_copy(rows_v.at[1], acc_sh.at[didx_v.at[c0 + 1]], add=True)
            return 0

        lax.fori_loop(0, IB // 2, body, 0)
        return 0

    lax.fori_loop(0, NIB, blk, 0)
    plsc.subcore_barrier()
    pltpu.sync_copy(acc_sh.at[pl.ds(sid * RPT, RPT)],
                    accp_hbm.at[pl.ds(cid * NPAD + sid * RPT, RPT)])


_mesh = plsc.VectorSubcoreMesh(core_axis_name="c", subcore_axis_name="s")
_sc_deg = pl.kernel(_sc_deg_body, out_type=_DEG_OUT, mesh=_mesh,
                    scratch_types=_DEG_SCRATCH)
_sc_scatter = pl.kernel(_sc_scatter_body, out_type=_SCAT_OUT, mesh=_mesh,
                        scratch_types=_SCAT_SCRATCH)



BN = 1024


def _dinv_block(dp0, dp1):
    deg = dp0[:, 0:1] + dp1[:, 0:1]
    return jnp.where(deg > 0, lax.rsqrt(jnp.maximum(deg, 1e-12)), 0.0)


def _elu(v):
    return jnp.where(v > 0, v, jnp.exp(v) - 1.0)


def _tc_prep_body(dp0, dp1, x_ref, w_ref, y_ref):
    dinv = _dinv_block(dp0[...], dp1[...])
    y_ref[...] = jnp.dot(x_ref[...], w_ref[...],
                         preferred_element_type=jnp.float32) * dinv


def _tc_mm_body(x_ref, w_ref, y_ref):
    y_ref[...] = jnp.dot(x_ref[...], w_ref[...],
                         preferred_element_type=jnp.float32)


def _tc_scale_body(xw_ref, dp0, dp1, y_ref):
    y_ref[...] = xw_ref[...] * _dinv_block(dp0[...], dp1[...])


def _tc_mid_body(ap0, ap1, dp0, dp1, b_ref, w_ref, y_ref):
    dinv = _dinv_block(dp0[...], dp1[...])
    h = _elu((ap0[...] + ap1[...]) * dinv + b_ref[...])
    y_ref[...] = jnp.dot(h, w_ref[...],
                         preferred_element_type=jnp.float32) * dinv


def _tc_final_body(ap0, ap1, dp0, dp1, b_ref, o_ref):
    dinv = _dinv_block(dp0[...], dp1[...])
    o_ref[...] = _elu((ap0[...] + ap1[...]) * dinv + b_ref[...])


_row_spec = pl.BlockSpec((BN, HIDDEN), lambda i: (i, 0))
_deg_spec = _row_spec
_w_spec = pl.BlockSpec((HIDDEN, HIDDEN), lambda i: (0, 0))
_b_spec = pl.BlockSpec((1, HIDDEN), lambda i: (0, 0))
_GRID = (NPAD // BN,)
_row_out = jax.ShapeDtypeStruct((NPAD, HIDDEN), jnp.float32)

_tc_prep = pl.pallas_call(
    _tc_prep_body, grid=_GRID,
    in_specs=[_deg_spec, _deg_spec, _row_spec, _w_spec],
    out_specs=_row_spec, out_shape=_row_out)

_tc_mm = pl.pallas_call(
    _tc_mm_body, grid=_GRID,
    in_specs=[_row_spec, _w_spec],
    out_specs=_row_spec, out_shape=_row_out)

_tc_scale = pl.pallas_call(
    _tc_scale_body, grid=_GRID,
    in_specs=[_row_spec, _deg_spec, _deg_spec],
    out_specs=_row_spec, out_shape=_row_out)

_tc_mid = pl.pallas_call(
    _tc_mid_body, grid=_GRID,
    in_specs=[_row_spec, _row_spec, _deg_spec, _deg_spec, _b_spec, _w_spec],
    out_specs=_row_spec, out_shape=_row_out)

_tc_final = pl.pallas_call(
    _tc_final_body, grid=_GRID,
    in_specs=[_row_spec, _row_spec, _deg_spec, _deg_spec, _b_spec],
    out_specs=_row_spec, out_shape=_row_out)



def kernel(x, edge_index, W1, b1, W2, b2):
    src = edge_index[0].astype(jnp.int32)
    dst = edge_index[1].astype(jnp.int32)
    pad = N_NODES + jnp.arange(EPAD - N_EDGES, dtype=jnp.int32) % (NPAD - N_NODES)
    srcp = jnp.concatenate([src, pad]).reshape(NW * CPT, CHUNK)
    dstp = jnp.concatenate([dst, pad]).reshape(NW * CPT, CHUNK)
    xp = jnp.pad(x, ((0, NPAD - N_NODES), (0, 0)))
    ones128 = jnp.ones((CHUNK, HIDDEN), jnp.float32)
    zeros128 = jnp.zeros((NPAD, HIDDEN), jnp.float32)

    degp = _sc_deg(dstp, ones128, zeros128)
    dp0, dp1 = degp[:NPAD], degp[NPAD:]

    y1 = _tc_prep(dp0, dp1, xp, W1)
    accp = _sc_scatter(srcp, dstp, y1, zeros128)
    y2 = _tc_mid(accp[:NPAD], accp[NPAD:], dp0, dp1, b1.reshape(1, HIDDEN), W2)
    accp2 = _sc_scatter(srcp, dstp, y2, zeros128)
    out = _tc_final(accp2[:NPAD], accp2[NPAD:], dp0, dp1, b2.reshape(1, HIDDEN))
    return out[:N_NODES]

# --- scband reference (transcript-rebuilt; emitter-appended) ---
"""Pipeline reference for scband-graph-encoder-75926431858858 (READ-ONLY COPY).

The authoritative reference and input builder live on the scoring server;
editing this copy changes nothing except your own understanding.
"""

import jax, jax.numpy as jnp
import numpy as np

N_NODES = 10000
N_EDGES = 320000
HIDDEN = 128
N_LAYERS = 2


def setup_inputs(seed: int = 0) -> dict:
    key = jax.random.key(seed)
    k_x, k_e, k_w1, k_w2 = jax.random.split(key, 4)
    x = jax.random.normal(k_x, (N_NODES, HIDDEN), dtype=jnp.float32)
    edge_index = jax.random.randint(k_e, (2, N_EDGES), 0, N_NODES, dtype=jnp.int64)
    # GCNConv weights: glorot-style init, shape [in, out]; bias zeros-like but use small randn for generality
    scale = 1.0 / jnp.sqrt(HIDDEN)
    W1 = jax.random.normal(k_w1, (HIDDEN, HIDDEN), dtype=jnp.float32) * scale
    b1 = jnp.zeros((HIDDEN,), dtype=jnp.float32)
    W2 = jax.random.normal(k_w2, (HIDDEN, HIDDEN), dtype=jnp.float32) * scale
    b2 = jnp.zeros((HIDDEN,), dtype=jnp.float32)
    return {"x": x, "edge_index": edge_index, "W1": W1, "b1": b1, "W2": W2, "b2": b2}


def _gcn_conv(x, edge_index, W, b):
    # PyG GCNConv with add_self_loops=False, edge_weight = ones
    src = edge_index[0]
    dst = edge_index[1]
    n = x.shape[0]
    # linear transform first (cached=False default path)
    x = x @ W
    # gcn_norm: deg over target nodes (in-degree), symmetric normalization
    deg = jnp.zeros((n,), dtype=x.dtype).at[dst].add(1.0)
    deg_inv_sqrt = jnp.where(deg > 0, jax.lax.rsqrt(jnp.maximum(deg, 1e-12)), 0.0)
    norm = deg_inv_sqrt[src] * deg_inv_sqrt[dst]
    # message: norm * x[src]; aggregate: scatter-add to dst
    msg = x[src] * norm[:, None]
    out = jnp.zeros_like(x).at[dst].add(msg)
    return out + b


def reference(x, edge_index, W1, b1, W2, b2):
    # Graph_encoder.forward: for each layer -> GCNConv -> ELU -> Dropout(p=0.0, no-op in eval)
    h = _gcn_conv(x, edge_index, W1, b1)
    h = jax.nn.elu(h)
    h = _gcn_conv(h, edge_index, W2, b2)
    h = jax.nn.elu(h)
    return h

if __name__ == "__main__":
    import jax
    _d = setup_inputs()
    print(jax.jit(kernel)(*tuple(_d.values())))

</pallas_src>

<mosaic_0001>
#map = affine_map<(d0, d1) -> (0, 0)>
module attributes {stable_mosaic.version = 14 : i64} {
  func.func @_sc_deg_body(%arg0: i32, %arg1: i32, %arg2: memref<2560x128xi32, #tpu.memory_space<hbm>>, %arg3: memref<128x128xf32, #tpu.memory_space<hbm>>, %arg4: memref<10240x128xf32, #tpu.memory_space<hbm>>, %arg5: memref<20480x128xf32, #tpu.memory_space<hbm>>, %arg6: memref<80x128xi32, #tpu.memory_space<vmem>>, %arg7: memref<128x128xf32, #tpu.memory_space<vmem>>, %arg8: memref<10240x128xf32, #tpu.memory_space<vmem_shared>>, %arg9: memref<!tpu.dma_semaphore, #tpu.memory_space<semaphore_mem>>) attributes {dimension_semantics = [#tpu.dimension_semantics<core_parallel>, #tpu.dimension_semantics<subcore_parallel>], iteration_bounds = array<i64: 2, 16>, scalar_prefetch = 0 : i64, scratch_operands = 4 : i64, tpu.core_type = #tpu.core_type<sc_vector_subcore>, window_params = [{transform_indices = #map}, {transform_indices = #map}, {transform_indices = #map}, {transform_indices = #map}]} {
    %mul3A = arith.constant 2 : i32
    %mul3A_0 = arith.muli %arg1, %mul3A : i32
    %add3A = arith.addi %mul3A_0, %arg0 : i32
    %mul3A_1 = arith.constant 80 : i32
    %mul3A_2 = arith.muli %add3A, %mul3A_1 : i32
    "tpu.region"() ({
      %run_scoped3A = tpu.sem_alloc : memref<!tpu.dma_semaphore, #tpu.memory_space<semaphore_mem>>
      %dma_start3A = arith.constant 0 : i32
      %dma_start3A_28 = tpu.memref_slice %arg2[%mul3A_2, %dma_start3A] : memref<2560x128xi32, #tpu.memory_space<hbm>> -> memref<80x128xi32, #tpu.memory_space<hbm>>
      %dma_start3A_29 = arith.constant 0 : i32
      %dma_start3A_30 = tpu.memref_slice %arg2[%mul3A_2, %dma_start3A_29] : memref<2560x128xi32, #tpu.memory_space<hbm>> -> memref<80x128xi32, #tpu.memory_space<hbm>>
      tpu.enqueue_dma source(%dma_start3A_30 : memref<80x128xi32, #tpu.memory_space<hbm>>) target(%arg6 : memref<80x128xi32, #tpu.memory_space<vmem>>) target_semaphore(%run_scoped3A : memref<!tpu.dma_semaphore, #tpu.memory_space<semaphore_mem>>)
      %dma_wait3A = arith.constant 0 : i32
      %dma_wait3A_31 = tpu.memref_slice %arg2[%mul3A_2, %dma_wait3A] : memref<2560x128xi32, #tpu.memory_space<hbm>> -> memref<80x128xi32, #tpu.memory_space<hbm>>
      %dma_wait3A_32 = arith.constant 0 : i32
      %dma_wait3A_33 = tpu.memref_slice %arg2[%mul3A_2, %dma_wait3A_32] : memref<2560x128xi32, #tpu.memory_space<hbm>> -> memref<80x128xi32, #tpu.memory_space<hbm>>
      tpu.wait_dma2 semaphore(%run_scoped3A : memref<!tpu.dma_semaphore, #tpu.memory_space<semaphore_mem>>) src(%dma_wait3A_33 : memref<80x128xi32, #tpu.memory_space<hbm>>) dst(%arg6 : memref<80x128xi32, #tpu.memory_space<vmem>>)
      tpu.yield
    }) : () -> ()
    "tpu.region"() ({
      %run_scoped3A = tpu.sem_alloc : memref<!tpu.dma_semaphore, #tpu.memory_space<semaphore_mem>>
      tpu.enqueue_dma source(%arg3 : memref<128x128xf32, #tpu.memory_space<hbm>>) target(%arg7 : memref<128x128xf32, #tpu.memory_space<vmem>>) target_semaphore(%run_scoped3A : memref<!tpu.dma_semaphore, #tpu.memory_space<semaphore_mem>>)
      tpu.wait_dma2 semaphore(%run_scoped3A : memref<!tpu.dma_semaphore, #tpu.memory_space<semaphore_mem>>) src(%arg3 : memref<128x128xf32, #tpu.memory_space<hbm>>) dst(%arg7 : memref<128x128xf32, #tpu.memory_space<vmem>>)
      tpu.yield
    }) : () -> ()
    %mul3A_3 = arith.constant 640 : i32
    %mul3A_4 = arith.muli %arg1, %mul3A_3 : i32
    %mul3A_5 = arith.constant 640 : i32
    %mul3A_6 = arith.muli %arg1, %mul3A_5 : i32
    "tpu.region"() ({
      %run_scoped3A = tpu.sem_alloc : memref<!tpu.dma_semaphore, #tpu.memory_space<semaphore_mem>>
      %dma_start3A = arith.constant 0 : i32
      %dma_start3A_28 = tpu.memref_slice %arg8[%mul3A_6, %dma_start3A] : memref<10240x128xf32, #tpu.memory_space<vmem_shared>> -> memref<640x128xf32, #tpu.memory_space<vmem_shared>>
      %dma_start3A_29 = arith.constant 0 : i32
      %dma_start3A_30 = tpu.memref_slice %arg4[%mul3A_4, %dma_start3A_29] : memref<10240x128xf32, #tpu.memory_space<hbm>> -> memref<640x128xf32, #tpu.memory_space<hbm>>
      tpu.enqueue_dma source(%dma_start3A_30 : memref<640x128xf32, #tpu.memory_space<hbm>>) target(%dma_start3A_28 : memref<640x128xf32, #tpu.memory_space<vmem_shared>>) target_semaphore(%run_scoped3A : memref<!tpu.dma_semaphore, #tpu.memory_space<semaphore_mem>>)
      %dma_wait3A = arith.constant 0 : i32
      %dma_wait3A_31 = tpu.memref_slice %arg8[%mul3A_6, %dma_wait3A] : memref<10240x128xf32, #tpu.memory_space<vmem_shared>> -> memref<640x128xf32, #tpu.memory_space<vmem_shared>>
      %dma_wait3A_32 = arith.constant 0 : i32
      %dma_wait3A_33 = tpu.memref_slice %arg4[%mul3A_4, %dma_wait3A_32] : memref<10240x128xf32, #tpu.memory_space<hbm>> -> memref<640x128xf32, #tpu.memory_space<hbm>>
      tpu.wait_dma2 semaphore(%run_scoped3A : memref<!tpu.dma_semaphore, #tpu.memory_space<semaphore_mem>>) src(%dma_wait3A_33 : memref<640x128xf32, #tpu.memory_space<hbm>>) dst(%dma_wait3A_31 : memref<640x128xf32, #tpu.memory_space<vmem_shared>>)
      tpu.yield
    }) : () -> ()
    %barrier3A = arith.constant 0 : index
    tpu.barrier barrier_id(%barrier3A)
    %scan3A = arith.constant 0 : i32
    %scan3A_7 = arith.constant 0 : i32
    %scan3A_8 = arith.constant 80 : i32
    %scan3A_9 = arith.addi %scan3A_7, %scan3A_8 : i32
    %scan3A_10 = arith.constant 1 : i32
    %scan3A_11 = scf.for %scan3A_28 = %scan3A_7 to %scan3A_9 step %scan3A_10 iter_args(%scan3A_29 = %scan3A) -> (i32)  : i32 {
      %dma_start3A = arith.constant 0 : i32
      %dma_start3A_30 = tpu.memref_slice %arg6[%scan3A_28, %dma_start3A] : memref<80x128xi32, #tpu.memory_space<vmem>> -> memref<1x128xi32, #tpu.memory_space<vmem>>
      %dma_start3A_31 = tpu.memref_squeeze %dma_start3A_30 : memref<1x128xi32, #tpu.memory_space<vmem>> -> memref<128xi32, #tpu.memory_space<vmem>>
      %dma_start3A_32 = arith.constant 0 : i32
      %dma_start3A_33 = arith.constant 0 : i32
      %dma_start3A_34 = tpu.memref_slice %arg8[%dma_start3A_32, %dma_start3A_33] : memref<10240x128xf32, #tpu.memory_space<vmem_shared>> -> memref<10240x128xf32, #tpu.memory_space<vmem_shared>>
      tpu.enqueue_indirect_dma source(%arg7 : memref<128x128xf32, #tpu.memory_space<vmem>>) target(%dma_start3A_34 : memref<10240x128xf32, #tpu.memory_space<vmem_shared>>) offsets(%dma_start3A_31 : memref<128xi32, #tpu.memory_space<vmem>>) semaphore(%arg9 : memref<!tpu.dma_semaphore, #tpu.memory_space<semaphore_mem>>) {add = true}
      %scan3A_35 = arith.constant 0 : i32
      scf.yield %scan3A_35 : i32
    }
    %scan3A_12 = arith.constant 80 : i32
    %scan3A_13 = arith.constant 0 : i32
    %scan3A_14 = arith.constant 0 : i32
    %scan3A_15 = arith.constant 80 : i32
    %scan3A_16 = arith.addi %scan3A_14, %scan3A_15 : i32
    %scan3A_17 = arith.constant 1 : i32
    %scan3A_18 = scf.for %scan3A_28 = %scan3A_14 to %scan3A_16 step %scan3A_17 iter_args(%scan3A_29 = %scan3A_13) -> (i32)  : i32 {
      %dma_wait3A = arith.constant 0 : i32
      %dma_wait3A_30 = tpu.memref_slice %arg6[%scan3A_28, %dma_wait3A] : memref<80x128xi32, #tpu.memory_space<vmem>> -> memref<1x128xi32, #tpu.memory_space<vmem>>
      %dma_wait3A_31 = tpu.memref_squeeze %dma_wait3A_30 : memref<1x128xi32, #tpu.memory_space<vmem>> -> memref<128xi32, #tpu.memory_space<vmem>>
      %dma_wait3A_32 = arith.constant 0 : i32
      %dma_wait3A_33 = arith.constant 0 : i32
      %dma_wait3A_34 = tpu.memref_slice %arg8[%dma_wait3A_32, %dma_wait3A_33] : memref<10240x128xf32, #tpu.memory_space<vmem_shared>> -> memref<10240x128xf32, #tpu.memory_space<vmem_shared>>
      tpu.wait_indirect_dma semaphore(%arg9 : memref<!tpu.dma_semaphore, #tpu.memory_space<semaphore_mem>>) src(%arg7 : memref<128x128xf32, #tpu.memory_space<vmem>>) dst(%dma_wait3A_34 : memref<10240x128xf32, #tpu.memory_space<vmem_shared>>)
      %scan3A_35 = arith.constant 0 : i32
      scf.yield %scan3A_35 : i32
    }
    %scan3A_19 = arith.constant 80 : i32
    %barrier3A_20 = arith.constant 0 : index
    tpu.barrier barrier_id(%barrier3A_20)
    %mul3A_21 = arith.constant 640 : i32
    %mul3A_22 = arith.muli %arg1, %mul3A_21 : i32
    %mul3A_23 = arith.constant 10240 : i32
    %mul3A_24 = arith.muli %arg0, %mul3A_23 : i32
    %mul3A_25 = arith.constant 640 : i32
    %mul3A_26 = arith.muli %arg1, %mul3A_25 : i32
    %add3A_27 = arith.addi %mul3A_24, %mul3A_26 : i32
    "tpu.region"() ({
      %run_scoped3A = tpu.sem_alloc : memref<!tpu.dma_semaphore, #tpu.memory_space<semaphore_mem>>
      %dma_start3A = arith.constant 0 : i32
      %dma_start3A_28 = tpu.memref_slice %arg5[%add3A_27, %dma_start3A] : memref<20480x128xf32, #tpu.memory_space<hbm>> -> memref<640x128xf32, #tpu.memory_space<hbm>>
      %dma_start3A_29 = arith.constant 0 : i32
      %dma_start3A_30 = tpu.memref_slice %arg8[%mul3A_22, %dma_start3A_29] : memref<10240x128xf32, #tpu.memory_space<vmem_shared>> -> memref<640x128xf32, #tpu.memory_space<vmem_shared>>
      tpu.enqueue_dma source(%dma_start3A_30 : memref<640x128xf32, #tpu.memory_space<vmem_shared>>) target(%dma_start3A_28 : memref<640x128xf32, #tpu.memory_space<hbm>>) target_semaphore(%run_scoped3A : memref<!tpu.dma_semaphore, #tpu.memory_space<semaphore_mem>>)
      %dma_wait3A = arith.constant 0 : i32
      %dma_wait3A_31 = tpu.memref_slice %arg5[%add3A_27, %dma_wait3A] : memref<20480x128xf32, #tpu.memory_space<hbm>> -> memref<640x128xf32, #tpu.memory_space<hbm>>
      %dma_wait3A_32 = arith.constant 0 : i32
      %dma_wait3A_33 = tpu.memref_slice %arg8[%mul3A_22, %dma_wait3A_32] : memref<10240x128xf32, #tpu.memory_space<vmem_shared>> -> memref<640x128xf32, #tpu.memory_space<vmem_shared>>
      tpu.wait_dma2 semaphore(%run_scoped3A : memref<!tpu.dma_semaphore, #tpu.memory_space<semaphore_mem>>) src(%dma_wait3A_33 : memref<640x128xf32, #tpu.memory_space<vmem_shared>>) dst(%dma_wait3A_31 : memref<640x128xf32, #tpu.memory_space<hbm>>)
      tpu.yield
    }) : () -> ()
    return
  }
}

#map = affine_map<(d0, d1) -> (0, 0)>
module attributes {stable_mosaic.version = 14 : i64} {
  func.func @_sc_scatter_body(%arg0: i32, %arg1: i32, %arg2: memref<2560x128xi32, #tpu.memory_space<hbm>>, %arg3: memref<2560x128xi32, #tpu.memory_space<hbm>>, %arg4: memref<10240x128xf32, #tpu.memory_space<hbm>>, %arg5: memref<10240x128xf32, #tpu.memory_space<hbm>>, %arg6: memref<20480x128xf32, #tpu.memory_space<hbm>>, %arg7: memref<16x128xi32, #tpu.memory_space<vmem>>, %arg8: memref<16x128xi32, #tpu.memory_space<vmem>>, %arg9: memref<2x128x128xf32, #tpu.memory_space<vmem>>, %arg10: memref<10240x128xf32, #tpu.memory_space<vmem_shared>>, %arg11: memref<!tpu.dma_semaphore, #tpu.memory_space<semaphore_mem>>, %arg12: memref<!tpu.dma_semaphore, #tpu.memory_space<semaphore_mem>>) attributes {dimension_semantics = [#tpu.dimension_semantics<core_parallel>, #tpu.dimension_semantics<subcore_parallel>], iteration_bounds = array<i64: 2, 16>, scalar_prefetch = 0 : i64, scratch_operands = 6 : i64, tpu.core_type = #tpu.core_type<sc_vector_subcore>, window_params = [{transform_indices = #map}, {transform_indices = #map}, {transform_indices = #map}, {transform_indices = #map}, {transform_indices = #map}]} {
    %mul3A = arith.constant 2 : i32
    %mul3A_0 = arith.muli %arg1, %mul3A : i32
    %add3A = arith.addi %mul3A_0, %arg0 : i32
    %mul3A_1 = arith.constant 640 : i32
    %mul3A_2 = arith.muli %arg1, %mul3A_1 : i32
    %mul3A_3 = arith.constant 640 : i32
    %mul3A_4 = arith.muli %arg1, %mul3A_3 : i32
    "tpu.region"() ({
      %run_scoped3A = tpu.sem_alloc : memref<!tpu.dma_semaphore, #tpu.memory_space<semaphore_mem>>
      %dma_start3A = arith.constant 0 : i32
      %dma_start3A_19 = tpu.memref_slice %arg10[%mul3A_4, %dma_start3A] : memref<10240x128xf32, #tpu.memory_space<vmem_shared>> -> memref<640x128xf32, #tpu.memory_space<vmem_shared>>
      %dma_start3A_20 = arith.constant 0 : i32
      %dma_start3A_21 = tpu.memref_slice %arg5[%mul3A_2, %dma_start3A_20] : memref<10240x128xf32, #tpu.memory_space<hbm>> -> memref<640x128xf32, #tpu.memory_space<hbm>>
      tpu.enqueue_dma source(%dma_start3A_21 : memref<640x128xf32, #tpu.memory_space<hbm>>) target(%dma_start3A_19 : memref<640x128xf32, #tpu.memory_space<vmem_shared>>) target_semaphore(%run_scoped3A : memref<!tpu.dma_semaphore, #tpu.memory_space<semaphore_mem>>)
      %dma_wait3A = arith.constant 0 : i32
      %dma_wait3A_22 = tpu.memref_slice %arg10[%mul3A_4, %dma_wait3A] : memref<10240x128xf32, #tpu.memory_space<vmem_shared>> -> memref<640x128xf32, #tpu.memory_space<vmem_shared>>
      %dma_wait3A_23 = arith.constant 0 : i32
      %dma_wait3A_24 = tpu.memref_slice %arg5[%mul3A_2, %dma_wait3A_23] : memref<10240x128xf32, #tpu.memory_space<hbm>> -> memref<640x128xf32, #tpu.memory_space<hbm>>
      tpu.wait_dma2 semaphore(%run_scoped3A : memref<!tpu.dma_semaphore, #tpu.memory_space<semaphore_mem>>) src(%dma_wait3A_24 : memref<640x128xf32, #tpu.memory_space<hbm>>) dst(%dma_wait3A_22 : memref<640x128xf32, #tpu.memory_space<vmem_shared>>)
      tpu.yield
    }) : () -> ()
    %barrier3A = arith.constant 0 : index
    tpu.barrier barrier_id(%barrier3A)
    %scan3A = arith.constant 0 : i32
    %scan3A_5 = arith.constant 0 : i32
    %scan3A_6 = arith.constant 5 : i32
    %scan3A_7 = arith.addi %scan3A_5, %scan3A_6 : i32
    %scan3A_8 = arith.constant 1 : i32
    %scan3A_9 = scf.for %scan3A_19 = %scan3A_5 to %scan3A_7 step %scan3A_8 iter_args(%scan3A_20 = %scan3A) -> (i32)  : i32 {
      %mul3A_21 = arith.constant 80 : i32
      %mul3A_22 = arith.muli %add3A, %mul3A_21 : i32
      %mul3A_23 = arith.constant 16 : i32
      %mul3A_24 = arith.muli %scan3A_19, %mul3A_23 : i32
      %add3A_25 = arith.addi %mul3A_22, %mul3A_24 : i32
      "tpu.region"() ({
        %run_scoped3A = tpu.sem_alloc : memref<!tpu.dma_semaphore, #tpu.memory_space<semaphore_mem>>
        %dma_start3A_45 = arith.constant 0 : i32
        %dma_start3A_46 = tpu.memref_slice %arg2[%add3A_25, %dma_start3A_45] : memref<2560x128xi32, #tpu.memory_space<hbm>> -> memref<16x128xi32, #tpu.memory_space<hbm>>
        %dma_start3A_47 = arith.constant 0 : i32
        %dma_start3A_48 = tpu.memref_slice %arg2[%add3A_25, %dma_start3A_47] : memref<2560x128xi32, #tpu.memory_space<hbm>> -> memref<16x128xi32, #tpu.memory_space<hbm>>
        tpu.enqueue_dma source(%dma_start3A_48 : memref<16x128xi32, #tpu.memory_space<hbm>>) target(%arg7 : memref<16x128xi32, #tpu.memory_space<vmem>>) target_semaphore(%run_scoped3A : memref<!tpu.dma_semaphore, #tpu.memory_space<semaphore_mem>>)
        %dma_wait3A = arith.constant 0 : i32
        %dma_wait3A_49 = tpu.memref_slice %arg2[%add3A_25, %dma_wait3A] : memref<2560x128xi32, #tpu.memory_space<hbm>> -> memref<16x128xi32, #tpu.memory_space<hbm>>
        %dma_wait3A_50 = arith.constant 0 : i32
        %dma_wait3A_51 = tpu.memref_slice %arg2[%add3A_25, %dma_wait3A_50] : memref<2560x128xi32, #tpu.memory_space<hbm>> -> memref<16x128xi32, #tpu.memory_space<hbm>>
        tpu.wait_dma2 semaphore(%run_scoped3A : memref<!tpu.dma_semaphore, #tpu.memory_space<semaphore_mem>>) src(%dma_wait3A_51 : memref<16x128xi32, #tpu.memory_space<hbm>>) dst(%arg7 : memref<16x128xi32, #tpu.memory_space<vmem>>)
        tpu.yield
      }) : () -> ()
      "tpu.region"() ({
        %run_scoped3A = tpu.sem_alloc : memref<!tpu.dma_semaphore, #tpu.memory_space<semaphore_mem>>
        %dma_start3A_45 = arith.constant 0 : i32
        %dma_start3A_46 = tpu.memref_slice %arg3[%add3A_25, %dma_start3A_45] : memref<2560x128xi32, #tpu.memory_space<hbm>> -> memref<16x128xi32, #tpu.memory_space<hbm>>
        %dma_start3A_47 = arith.constant 0 : i32
        %dma_start3A_48 = tpu.memref_slice %arg3[%add3A_25, %dma_start3A_47] : memref<2560x128xi32, #tpu.memory_space<hbm>> -> memref<16x128xi32, #tpu.memory_space<hbm>>
        tpu.enqueue_dma source(%dma_start3A_48 : memref<16x128xi32, #tpu.memory_space<hbm>>) target(%arg8 : memref<16x128xi32, #tpu.memory_space<vmem>>) target_semaphore(%run_scoped3A : memref<!tpu.dma_semaphore, #tpu.memory_space<semaphore_mem>>)
        %dma_wait3A = arith.constant 0 : i32
        %dma_wait3A_49 = tpu.memref_slice %arg3[%add3A_25, %dma_wait3A] : memref<2560x128xi32, #tpu.memory_space<hbm>> -> memref<16x128xi32, #tpu.memory_space<hbm>>
        %dma_wait3A_50 = arith.constant 0 : i32
        %dma_wait3A_51 = tpu.memref_slice %arg3[%add3A_25, %dma_wait3A_50] : memref<2560x128xi32, #tpu.memory_space<hbm>> -> memref<16x128xi32, #tpu.memory_space<hbm>>
        tpu.wait_dma2 semaphore(%run_scoped3A : memref<!tpu.dma_semaphore, #tpu.memory_space<semaphore_mem>>) src(%dma_wait3A_51 : memref<16x128xi32, #tpu.memory_space<hbm>>) dst(%arg8 : memref<16x128xi32, #tpu.memory_space<vmem>>)
        tpu.yield
      }) : () -> ()
      %dma_start3A = arith.constant 0 : i32
      %dma_start3A_26 = arith.constant 0 : i32
      %dma_start3A_27 = arith.constant 0 : i32
      %dma_start3A_28 = arith.constant 0 : i32
      %dma_start3A_29 = tpu.memref_slice %arg9[%dma_start3A_26, %dma_start3A_27, %dma_start3A_28] : memref<2x128x128xf32, #tpu.memory_space<vmem>> -> memref<1x128x128xf32, #tpu.memory_space<vmem>>
      %dma_start3A_30 = tpu.memref_squeeze %dma_start3A_29 : memref<1x128x128xf32, #tpu.memory_space<vmem>> -> memref<128x128xf32, #tpu.memory_space<vmem>>
      %dma_start3A_31 = arith.constant 0 : i32
      %dma_start3A_32 = tpu.memref_slice %arg7[%dma_start3A, %dma_start3A_31] : memref<16x128xi32, #tpu.memory_space<vmem>> -> memref<1x128xi32, #tpu.memory_space<vmem>>
      %dma_start3A_33 = tpu.memref_squeeze %dma_start3A_32 : memref<1x128xi32, #tpu.memory_space<vmem>> -> memref<128xi32, #tpu.memory_space<vmem>>
      %dma_start3A_34 = arith.constant 0 : i32
      %dma_start3A_35 = arith.constant 0 : i32
      %dma_start3A_36 = tpu.memref_slice %arg4[%dma_start3A_34, %dma_start3A_35] : memref<10240x128xf32, #tpu.memory_space<hbm>> -> memref<10240x128xf32, #tpu.memory_space<hbm>>
      tpu.enqueue_indirect_dma source(%dma_start3A_36 : memref<10240x128xf32, #tpu.memory_space<hbm>>) target(%dma_start3A_30 : memref<128x128xf32, #tpu.memory_space<vmem>>) offsets(%dma_start3A_33 : memref<128xi32, #tpu.memory_space<vmem>>) semaphore(%arg11 : memref<!tpu.dma_semaphore, #tpu.memory_space<semaphore_mem>>)
      %scan3A_37 = arith.constant 0 : i32
      %scan3A_38 = arith.constant 0 : i32
      %scan3A_39 = arith.constant 8 : i32
      %scan3A_40 = arith.addi %scan3A_38, %scan3A_39 : i32
      %scan3A_41 = arith.constant 1 : i32
      %scan3A_42 = scf.for %scan3A_45 = %scan3A_38 to %scan3A_40 step %scan3A_41 iter_args(%scan3A_46 = %scan3A_37) -> (i32)  : i32 {
        %mul3A_47 = arith.constant 2 : i32
        %mul3A_48 = arith.muli %scan3A_45, %mul3A_47 : i32
        %dma_wait3A = arith.constant 0 : i32
        %dma_wait3A_49 = arith.constant 0 : i32
        %dma_wait3A_50 = arith.constant 0 : i32
        %dma_wait3A_51 = tpu.memref_slice %arg9[%dma_wait3A, %dma_wait3A_49, %dma_wait3A_50] : memref<2x128x128xf32, #tpu.memory_space<vmem>> -> memref<1x128x128xf32, #tpu.memory_space<vmem>>
        %dma_wait3A_52 = tpu.memref_squeeze %dma_wait3A_51 : memref<1x128x128xf32, #tpu.memory_space<vmem>> -> memref<128x128xf32, #tpu.memory_space<vmem>>
        %dma_wait3A_53 = arith.constant 0 : i32
        %dma_wait3A_54 = tpu.memref_slice %arg7[%mul3A_48, %dma_wait3A_53] : memref<16x128xi32, #tpu.memory_space<vmem>> -> memref<1x128xi32, #tpu.memory_space<vmem>>
        %dma_wait3A_55 = tpu.memref_squeeze %dma_wait3A_54 : memref<1x128xi32, #tpu.memory_space<vmem>> -> memref<128xi32, #tpu.memory_space<vmem>>
        %dma_wait3A_56 = arith.constant 0 : i32
        %dma_wait3A_57 = arith.constant 0 : i32
        %dma_wait3A_58 = tpu.memref_slice %arg4[%dma_wait3A_56, %dma_wait3A_57] : memref<10240x128xf32, #tpu.memory_space<hbm>> -> memref<10240x128xf32, #tpu.memory_space<hbm>>
        tpu.wait_indirect_dma semaphore(%arg11 : memref<!tpu.dma_semaphore, #tpu.memory_space<semaphore_mem>>) src(%dma_wait3A_58 : memref<10240x128xf32, #tpu.memory_space<hbm>>) dst(%dma_wait3A_52 : memref<128x128xf32, #tpu.memory_space<vmem>>)
        %add3A_59 = arith.constant 1 : i32
        %add3A_60 = arith.addi %mul3A_48, %add3A_59 : i32
        %dma_start3A_61 = arith.constant 1 : i32
        %dma_start3A_62 = arith.constant 0 : i32
        %dma_start3A_63 = arith.constant 0 : i32
        %dma_start3A_64 = tpu.memref_slice %arg9[%dma_start3A_61, %dma_start3A_62, %dma_start3A_63] : memref<2x128x128xf32, #tpu.memory_space<vmem>> -> memref<1x128x128xf32, #tpu.memory_space<vmem>>
        %dma_start3A_65 = tpu.memref_squeeze %dma_start3A_64 : memref<1x128x128xf32, #tpu.memory_space<vmem>> -> memref<128x128xf32, #tpu.memory_space<vmem>>
        %dma_start3A_66 = arith.constant 0 : i32
        %dma_start3A_67 = tpu.memref_slice %arg7[%add3A_60, %dma_start3A_66] : memref<16x128xi32, #tpu.memory_space<vmem>> -> memref<1x128xi32, #tpu.memory_space<vmem>>
        %dma_start3A_68 = tpu.memref_squeeze %dma_start3A_67 : memref<1x128xi32, #tpu.memory_space<vmem>> -> memref<128xi32, #tpu.memory_space<vmem>>
        %dma_start3A_69 = arith.constant 0 : i32
        %dma_start3A_70 = arith.constant 0 : i32
        %dma_start3A_71 = tpu.memref_slice %arg4[%dma_start3A_69, %dma_start3A_70] : memref<10240x128xf32, #tpu.memory_space<hbm>> -> memref<10240x128xf32, #tpu.memory_space<hbm>>
        tpu.enqueue_indirect_dma source(%dma_start3A_71 : memref<10240x128xf32, #tpu.memory_space<hbm>>) target(%dma_start3A_65 : memref<128x128xf32, #tpu.memory_space<vmem>>) offsets(%dma_start3A_68 : memref<128xi32, #tpu.memory_space<vmem>>) semaphore(%arg12 : memref<!tpu.dma_semaphore, #tpu.memory_space<semaphore_mem>>)
        %run_scoped3A = arith.constant 0 : i32
        "tpu.region"() ({
          %run_scoped3A_93 = tpu.sem_alloc : memref<!tpu.dma_semaphore, #tpu.memory_space<semaphore_mem>>
          %dma_start3A_94 = arith.constant 0 : i32
          %dma_start3A_95 = arith.constant 0 : i32
          %dma_start3A_96 = tpu.memref_slice %arg9[%run_scoped3A, %dma_start3A_94, %dma_start3A_95] : memref<2x128x128xf32, #tpu.memory_space<vmem>> -> memref<1x128x128xf32, #tpu.memory_space<vmem>>
          %dma_start3A_97 = tpu.memref_squeeze %dma_start3A_96 : memref<1x128x128xf32, #tpu.memory_space<vmem>> -> memref<128x128xf32, #tpu.memory_space<vmem>>
          %dma_start3A_98 = arith.constant 0 : i32
          %dma_start3A_99 = tpu.memref_slice %arg8[%mul3A_48, %dma_start3A_98] : memref<16x128xi32, #tpu.memory_space<vmem>> -> memref<1x128xi32, #tpu.memory_space<vmem>>
          %dma_start3A_100 = tpu.memref_squeeze %dma_start3A_99 : memref<1x128xi32, #tpu.memory_space<vmem>> -> memref<128xi32, #tpu.memory_space<vmem>>
          %dma_start3A_101 = arith.constant 0 : i32
          %dma_start3A_102 = arith.constant 0 : i32
          %dma_start3A_103 = tpu.memref_slice %arg10[%dma_start3A_101, %dma_start3A_102] : memref<10240x128xf32, #tpu.memory_space<vmem_shared>> -> memref<10240x128xf32, #tpu.memory_space<vmem_shared>>
          tpu.enqueue_indirect_dma source(%dma_start3A_97 : memref<128x128xf32, #tpu.memory_space<vmem>>) target(%dma_start3A_103 : memref<10240x128xf32, #tpu.memory_space<vmem_shared>>) offsets(%dma_start3A_100 : memref<128xi32, #tpu.memory_space<vmem>>) semaphore(%run_scoped3A_93 : memref<!tpu.dma_semaphore, #tpu.memory_space<semaphore_mem>>) {add = true}
          %dma_wait3A_104 = arith.constant 0 : i32
          %dma_wait3A_105 = arith.constant 0 : i32
          %dma_wait3A_106 = tpu.memref_slice %arg9[%run_scoped3A, %dma_wait3A_104, %dma_wait3A_105] : memref<2x128x128xf32, #tpu.memory_space<vmem>> -> memref<1x128x128xf32, #tpu.memory_space<vmem>>
          %dma_wait3A_107 = tpu.memref_squeeze %dma_wait3A_106 : memref<1x128x128xf32, #tpu.memory_space<vmem>> -> memref<128x128xf32, #tpu.memory_space<vmem>>
          %dma_wait3A_108 = arith.constant 0 : i32
          %dma_wait3A_109 = tpu.memref_slice %arg8[%mul3A_48, %dma_wait3A_108] : memref<16x128xi32, #tpu.memory_space<vmem>> -> memref<1x128xi32, #tpu.memory_space<vmem>>
          %dma_wait3A_110 = tpu.memref_squeeze %dma_wait3A_109 : memref<1x128xi32, #tpu.memory_space<vmem>> -> memref<128xi32, #tpu.memory_space<vmem>>
          %dma_wait3A_111 = arith.constant 0 : i32
          %dma_wait3A_112 = arith.constant 0 : i32
          %dma_wait3A_113 = tpu.memref_slice %arg10[%dma_wait3A_111, %dma_wait3A_112] : memref<10240x128xf32, #tpu.memory_space<vmem_shared>> -> memref<10240x128xf32, #tpu.memory_space<vmem_shared>>
          tpu.wait_indirect_dma semaphore(%run_scoped3A_93 : memref<!tpu.dma_semaphore, #tpu.memory_space<semaphore_mem>>) src(%dma_wait3A_107 : memref<128x128xf32, #tpu.memory_space<vmem>>) dst(%dma_wait3A_113 : memref<10240x128xf32, #tpu.memory_space<vmem_shared>>)
          tpu.yield
        }) : () -> ()
        %add3A_72 = arith.constant 1 : i32
        %add3A_73 = arith.addi %mul3A_48, %add3A_72 : i32
        %dma_wait3A_74 = arith.constant 1 : i32
        %dma_wait3A_75 = arith.constant 0 : i32
        %dma_wait3A_76 = arith.constant 0 : i32
        %dma_wait3A_77 = tpu.memref_slice %arg9[%dma_wait3A_74, %dma_wait3A_75, %dma_wait3A_76] : memref<2x128x128xf32, #tpu.memory_space<vmem>> -> memref<1x128x128xf32, #tpu.memory_space<vmem>>
        %dma_wait3A_78 = tpu.memref_squeeze %dma_wait3A_77 : memref<1x128x128xf32, #tpu.memory_space<vmem>> -> memref<128x128xf32, #tpu.memory_space<vmem>>
        %dma_wait3A_79 = arith.constant 0 : i32
        %dma_wait3A_80 = tpu.memref_slice %arg7[%add3A_73, %dma_wait3A_79] : memref<16x128xi32, #tpu.memory_space<vmem>> -> memref<1x128xi32, #tpu.memory_space<vmem>>
        %dma_wait3A_81 = tpu.memref_squeeze %dma_wait3A_80 : memref<1x128xi32, #tpu.memory_space<vmem>> -> memref<128xi32, #tpu.memory_space<vmem>>
        %dma_wait3A_82 = arith.constant 0 : i32
        %dma_wait3A_83 = arith.constant 0 : i32
        %dma_wait3A_84 = tpu.memref_slice %arg4[%dma_wait3A_82, %dma_wait3A_83] : memref<10240x128xf32, #tpu.memory_space<hbm>> -> memref<10240x128xf32, #tpu.memory_space<hbm>>
        tpu.wait_indirect_dma semaphore(%arg12 : memref<!tpu.dma_semaphore, #tpu.memory_space<semaphore_mem>>) src(%dma_wait3A_84 : memref<10240x128xf32, #tpu.memory_space<hbm>>) dst(%dma_wait3A_78 : memref<128x128xf32, #tpu.memory_space<vmem>>)
        %add3A_85 = arith.constant 2 : i32
        %add3A_86 = arith.addi %mul3A_48, %add3A_85 : i32
        %lt3A = arith.constant 16 : i32
        %lt3A_87 = arith.cmpi slt, %add3A_86, %lt3A : i32
        %convert_element_type3A = arith.extui %lt3A_87 : i1 to i32
        %cond3A = arith.constant 0 : i32
        %cond3A_88 = arith.cmpi ne, %convert_element_type3A, %cond3A : i32
        scf.if %cond3A_88 {
          %add3A_93 = arith.constant 2 : i32
          %add3A_94 = arith.addi %mul3A_48, %add3A_93 : i32
          %dma_start3A_95 = arith.constant 0 : i32
          %dma_start3A_96 = arith.constant 0 : i32
          %dma_start3A_97 = arith.constant 0 : i32
          %dma_start3A_98 = tpu.memref_slice %arg9[%dma_start3A_95, %dma_start3A_96, %dma_start3A_97] : memref<2x128x128xf32, #tpu.memory_space<vmem>> -> memref<1x128x128xf32, #tpu.memory_space<vmem>>
          %dma_start3A_99 = tpu.memref_squeeze %dma_start3A_98 : memref<1x128x128xf32, #tpu.memory_space<vmem>> -> memref<128x128xf32, #tpu.memory_space<vmem>>
          %dma_start3A_100 = arith.constant 0 : i32
          %dma_start3A_101 = tpu.memref_slice %arg7[%add3A_94, %dma_start3A_100] : memref<16x128xi32, #tpu.memory_space<vmem>> -> memref<1x128xi32, #tpu.memory_space<vmem>>
          %dma_start3A_102 = tpu.memref_squeeze %dma_start3A_101 : memref<1x128xi32, #tpu.memory_space<vmem>> -> memref<128xi32, #tpu.memory_space<vmem>>
          %dma_start3A_103 = arith.constant 0 : i32
          %dma_start3A_104 = arith.constant 0 : i32
          %dma_start3A_105 = tpu.memref_slice %arg4[%dma_start3A_103, %dma_start3A_104] : memref<10240x128xf32, #tpu.memory_space<hbm>> -> memref<10240x128xf32, #tpu.memory_space<hbm>>
          tpu.enqueue_indirect_dma source(%dma_start3A_105 : memref<10240x128xf32, #tpu.memory_space<hbm>>) target(%dma_start3A_99 : memref<128x128xf32, #tpu.memory_space<vmem>>) offsets(%dma_start3A_102 : memref<128xi32, #tpu.memory_space<vmem>>) semaphore(%arg11 : memref<!tpu.dma_semaphore, #tpu.memory_space<semaphore_mem>>)
        } else {
        }
        %add3A_89 = arith.constant 1 : i32
        %add3A_90 = arith.addi %mul3A_48, %add3A_89 : i32
        %run_scoped3A_91 = arith.constant 1 : i32
        "tpu.region"() ({
          %run_scoped3A_93 = tpu.sem_alloc : memref<!tpu.dma_semaphore, #tpu.memory_space<semaphore_mem>>
          %dma_start3A_94 = arith.constant 0 : i32
          %dma_start3A_95 = arith.constant 0 : i32
          %dma_start3A_96 = tpu.memref_slice %arg9[%run_scoped3A_91, %dma_start3A_94, %dma_start3A_95] : memref<2x128x128xf32, #tpu.memory_space<vmem>> -> memref<1x128x128xf32, #tpu.memory_space<vmem>>
          %dma_start3A_97 = tpu.memref_squeeze %dma_start3A_96 : memref<1x128x128xf32, #tpu.memory_space<vmem>> -> memref<128x128xf32, #tpu.memory_space<vmem>>
          %dma_start3A_98 = arith.constant 0 : i32
          %dma_start3A_99 = tpu.memref_slice %arg8[%add3A_90, %dma_start3A_98] : memref<16x128xi32, #tpu.memory_space<vmem>> -> memref<1x128xi32, #tpu.memory_space<vmem>>
          %dma_start3A_100 = tpu.memref_squeeze %dma_start3A_99 : memref<1x128xi32, #tpu.memory_space<vmem>> -> memref<128xi32, #tpu.memory_space<vmem>>
          %dma_start3A_101 = arith.constant 0 : i32
          %dma_start3A_102 = arith.constant 0 : i32
          %dma_start3A_103 = tpu.memref_slice %arg10[%dma_start3A_101, %dma_start3A_102] : memref<10240x128xf32, #tpu.memory_space<vmem_shared>> -> memref<10240x128xf32, #tpu.memory_space<vmem_shared>>
          tpu.enqueue_indirect_dma source(%dma_start3A_97 : memref<128x128xf32, #tpu.memory_space<vmem>>) target(%dma_start3A_103 : memref<10240x128xf32, #tpu.memory_space<vmem_shared>>) offsets(%dma_start3A_100 : memref<128xi32, #tpu.memory_space<vmem>>) semaphore(%run_scoped3A_93 : memref<!tpu.dma_semaphore, #tpu.memory_space<semaphore_mem>>) {add = true}
          %dma_wait3A_104 = arith.constant 0 : i32
          %dma_wait3A_105 = arith.constant 0 : i32
          %dma_wait3A_106 = tpu.memref_slice %arg9[%run_scoped3A_91, %dma_wait3A_104, %dma_wait3A_105] : memref<2x128x128xf32, #tpu.memory_space<vmem>> -> memref<1x128x128xf32, #tpu.memory_space<vmem>>
          %dma_wait3A_107 = tpu.memref_squeeze %dma_wait3A_106 : memref<1x128x128xf32, #tpu.memory_space<vmem>> -> memref<128x128xf32, #tpu.memory_space<vmem>>
          %dma_wait3A_108 = arith.constant 0 : i32
          %dma_wait3A_109 = tpu.memref_slice %arg8[%add3A_90, %dma_wait3A_108] : memref<16x128xi32, #tpu.memory_space<vmem>> -> memref<1x128xi32, #tpu.memory_space<vmem>>
          %dma_wait3A_110 = tpu.memref_squeeze %dma_wait3A_109 : memref<1x128xi32, #tpu.memory_space<vmem>> -> memref<128xi32, #tpu.memory_space<vmem>>
          %dma_wait3A_111 = arith.constant 0 : i32
          %dma_wait3A_112 = arith.constant 0 : i32
          %dma_wait3A_113 = tpu.memref_slice %arg10[%dma_wait3A_111, %dma_wait3A_112] : memref<10240x128xf32, #tpu.memory_space<vmem_shared>> -> memref<10240x128xf32, #tpu.memory_space<vmem_shared>>
          tpu.wait_indirect_dma semaphore(%run_scoped3A_93 : memref<!tpu.dma_semaphore, #tpu.memory_space<semaphore_mem>>) src(%dma_wait3A_107 : memref<128x128xf32, #tpu.memory_space<vmem>>) dst(%dma_wait3A_113 : memref<10240x128xf32, #tpu.memory_space<vmem_shared>>)
          tpu.yield
        }) : () -> ()
        %scan3A_92 = arith.constant 0 : i32
        scf.yield %scan3A_92 : i32
      }
      %scan3A_43 = arith.constant 8 : i32
      %scan3A_44 = arith.constant 0 : i32
      scf.yield %scan3A_44 : i32
    }
    %scan3A_10 = arith.constant 5 : i32
    %barrier3A_11 = arith.constant 0 : index
    tpu.barrier barrier_id(%barrier3A_11)
    %mul3A_12 = arith.constant 640 : i32
    %mul3A_13 = arith.muli %arg1, %mul3A_12 : i32
    %mul3A_14 = arith.constant 10240 : i32
    %mul3A_15 = arith.muli %arg0, %mul3A_14 : i32
    %mul3A_16 = arith.constant 640 : i32
    %mul3A_17 = arith.muli %arg1, %mul3A_16 : i32
    %add3A_18 = arith.addi %mul3A_15, %mul3A_17 : i32
    "tpu.region"() ({
      %run_scoped3A = tpu.sem_alloc : memref<!tpu.dma_semaphore, #tpu.memory_space<semaphore_mem>>
      %dma_start3A = arith.constant 0 : i32
      %dma_start3A_19 = tpu.memref_slice %arg6[%add3A_18, %dma_start3A] : memref<20480x128xf32, #tpu.memory_space<hbm>> -> memref<640x128xf32, #tpu.memory_space<hbm>>
      %dma_start3A_20 = arith.constant 0 : i32
      %dma_start3A_21 = tpu.memref_slice %arg10[%mul3A_13, %dma_start3A_20] : memref<10240x128xf32, #tpu.memory_space<vmem_shared>> -> memref<640x128xf32, #tpu.memory_space<vmem_shared>>
      tpu.enqueue_dma source(%dma_start3A_21 : memref<640x128xf32, #tpu.memory_space<vmem_shared>>) target(%dma_start3A_19 : memref<640x128xf32, #tpu.memory_space<hbm>>) target_semaphore(%run_scoped3A : memref<!tpu.dma_semaphore, #tpu.memory_space<semaphore_mem>>)
      %dma_wait3A = arith.constant 0 : i32
      %dma_wait3A_22 = tpu.memref_slice %arg6[%add3A_18, %dma_wait3A] : memref<20480x128xf32, #tpu.memory_space<hbm>> -> memref<640x128xf32, #tpu.memory_space<hbm>>
      %dma_wait3A_23 = arith.constant 0 : i32
      %dma_wait3A_24 = tpu.memref_slice %arg10[%mul3A_13, %dma_wait3A_23] : memref<10240x128xf32, #tpu.memory_space<vmem_shared>> -> memref<640x128xf32, #tpu.memory_space<vmem_shared>>
      tpu.wait_dma2 semaphore(%run_scoped3A : memref<!tpu.dma_semaphore, #tpu.memory_space<semaphore_mem>>) src(%dma_wait3A_24 : memref<640x128xf32, #tpu.memory_space<vmem_shared>>) dst(%dma_wait3A_22 : memref<640x128xf32, #tpu.memory_space<hbm>>)
      tpu.yield
    }) : () -> ()
    return
  }
}

#map = affine_map<(d0, d1) -> (0, 0)>
module attributes {stable_mosaic.version = 14 : i64} {
  func.func @_sc_scatter_body(%arg0: i32, %arg1: i32, %arg2: memref<2560x128xi32, #tpu.memory_space<hbm>>, %arg3: memref<2560x128xi32, #tpu.memory_space<hbm>>, %arg4: memref<10240x128xf32, #tpu.memory_space<hbm>>, %arg5: memref<10240x128xf32, #tpu.memory_space<hbm>>, %arg6: memref<20480x128xf32, #tpu.memory_space<hbm>>, %arg7: memref<16x128xi32, #tpu.memory_space<vmem>>, %arg8: memref<16x128xi32, #tpu.memory_space<vmem>>, %arg9: memref<2x128x128xf32, #tpu.memory_space<vmem>>, %arg10: memref<10240x128xf32, #tpu.memory_space<vmem_shared>>, %arg11: memref<!tpu.dma_semaphore, #tpu.memory_space<semaphore_mem>>, %arg12: memref<!tpu.dma_semaphore, #tpu.memory_space<semaphore_mem>>) attributes {dimension_semantics = [#tpu.dimension_semantics<core_parallel>, #tpu.dimension_semantics<subcore_parallel>], iteration_bounds = array<i64: 2, 16>, scalar_prefetch = 0 : i64, scratch_operands = 6 : i64, tpu.core_type = #tpu.core_type<sc_vector_subcore>, window_params = [{transform_indices = #map}, {transform_indices = #map}, {transform_indices = #map}, {transform_indices = #map}, {transform_indices = #map}]} {
    %mul3A = arith.constant 2 : i32
    %mul3A_0 = arith.muli %arg1, %mul3A : i32
    %add3A = arith.addi %mul3A_0, %arg0 : i32
    %mul3A_1 = arith.constant 640 : i32
    %mul3A_2 = arith.muli %arg1, %mul3A_1 : i32
    %mul3A_3 = arith.constant 640 : i32
    %mul3A_4 = arith.muli %arg1, %mul3A_3 : i32
    "tpu.region"() ({
      %run_scoped3A = tpu.sem_alloc : memref<!tpu.dma_semaphore, #tpu.memory_space<semaphore_mem>>
      %dma_start3A = arith.constant 0 : i32
      %dma_start3A_19 = tpu.memref_slice %arg10[%mul3A_4, %dma_start3A] : memref<10240x128xf32, #tpu.memory_space<vmem_shared>> -> memref<640x128xf32, #tpu.memory_space<vmem_shared>>
      %dma_start3A_20 = arith.constant 0 : i32
      %dma_start3A_21 = tpu.memref_slice %arg5[%mul3A_2, %dma_start3A_20] : memref<10240x128xf32, #tpu.memory_space<hbm>> -> memref<640x128xf32, #tpu.memory_space<hbm>>
      tpu.enqueue_dma source(%dma_start3A_21 : memref<640x128xf32, #tpu.memory_space<hbm>>) target(%dma_start3A_19 : memref<640x128xf32, #tpu.memory_space<vmem_shared>>) target_semaphore(%run_scoped3A : memref<!tpu.dma_semaphore, #tpu.memory_space<semaphore_mem>>)
      %dma_wait3A = arith.constant 0 : i32
      %dma_wait3A_22 = tpu.memref_slice %arg10[%mul3A_4, %dma_wait3A] : memref<10240x128xf32, #tpu.memory_space<vmem_shared>> -> memref<640x128xf32, #tpu.memory_space<vmem_shared>>
      %dma_wait3A_23 = arith.constant 0 : i32
      %dma_wait3A_24 = tpu.memref_slice %arg5[%mul3A_2, %dma_wait3A_23] : memref<10240x128xf32, #tpu.memory_space<hbm>> -> memref<640x128xf32, #tpu.memory_space<hbm>>
      tpu.wait_dma2 semaphore(%run_scoped3A : memref<!tpu.dma_semaphore, #tpu.memory_space<semaphore_mem>>) src(%dma_wait3A_24 : memref<640x128xf32, #tpu.memory_space<hbm>>) dst(%dma_wait3A_22 : memref<640x128xf32, #tpu.memory_space<vmem_shared>>)
      tpu.yield
    }) : () -> ()
    %barrier3A = arith.constant 0 : index
    tpu.barrier barrier_id(%barrier3A)
    %scan3A = arith.constant 0 : i32
    %scan3A_5 = arith.constant 0 : i32
    %scan3A_6 = arith.constant 5 : i32
    %scan3A_7 = arith.addi %scan3A_5, %scan3A_6 : i32
    %scan3A_8 = arith.constant 1 : i32
    %scan3A_9 = scf.for %scan3A_19 = %scan3A_5 to %scan3A_7 step %scan3A_8 iter_args(%scan3A_20 = %scan3A) -> (i32)  : i32 {
      %mul3A_21 = arith.constant 80 : i32
      %mul3A_22 = arith.muli %add3A, %mul3A_21 : i32
      %mul3A_23 = arith.constant 16 : i32
      %mul3A_24 = arith.muli %scan3A_19, %mul3A_23 : i32
      %add3A_25 = arith.addi %mul3A_22, %mul3A_24 : i32
      "tpu.region"() ({
        %run_scoped3A = tpu.sem_alloc : memref<!tpu.dma_semaphore, #tpu.memory_space<semaphore_mem>>
        %dma_start3A_45 = arith.constant 0 : i32
        %dma_start3A_46 = tpu.memref_slice %arg2[%add3A_25, %dma_start3A_45] : memref<2560x128xi32, #tpu.memory_space<hbm>> -> memref<16x128xi32, #tpu.memory_space<hbm>>
        %dma_start3A_47 = arith.constant 0 : i32
        %dma_start3A_48 = tpu.memref_slice %arg2[%add3A_25, %dma_start3A_47] : memref<2560x128xi32, #tpu.memory_space<hbm>> -> memref<16x128xi32, #tpu.memory_space<hbm>>
        tpu.enqueue_dma source(%dma_start3A_48 : memref<16x128xi32, #tpu.memory_space<hbm>>) target(%arg7 : memref<16x128xi32, #tpu.memory_space<vmem>>) target_semaphore(%run_scoped3A : memref<!tpu.dma_semaphore, #tpu.memory_space<semaphore_mem>>)
        %dma_wait3A = arith.constant 0 : i32
        %dma_wait3A_49 = tpu.memref_slice %arg2[%add3A_25, %dma_wait3A] : memref<2560x128xi32, #tpu.memory_space<hbm>> -> memref<16x128xi32, #tpu.memory_space<hbm>>
        %dma_wait3A_50 = arith.constant 0 : i32
        %dma_wait3A_51 = tpu.memref_slice %arg2[%add3A_25, %dma_wait3A_50] : memref<2560x128xi32, #tpu.memory_space<hbm>> -> memref<16x128xi32, #tpu.memory_space<hbm>>
        tpu.wait_dma2 semaphore(%run_scoped3A : memref<!tpu.dma_semaphore, #tpu.memory_space<semaphore_mem>>) src(%dma_wait3A_51 : memref<16x128xi32, #tpu.memory_space<hbm>>) dst(%arg7 : memref<16x128xi32, #tpu.memory_space<vmem>>)
        tpu.yield
      }) : () -> ()
      "tpu.region"() ({
        %run_scoped3A = tpu.sem_alloc : memref<!tpu.dma_semaphore, #tpu.memory_space<semaphore_mem>>
        %dma_start3A_45 = arith.constant 0 : i32
        %dma_start3A_46 = tpu.memref_slice %arg3[%add3A_25, %dma_start3A_45] : memref<2560x128xi32, #tpu.memory_space<hbm>> -> memref<16x128xi32, #tpu.memory_space<hbm>>
        %dma_start3A_47 = arith.constant 0 : i32
        %dma_start3A_48 = tpu.memref_slice %arg3[%add3A_25, %dma_start3A_47] : memref<2560x128xi32, #tpu.memory_space<hbm>> -> memref<16x128xi32, #tpu.memory_space<hbm>>
        tpu.enqueue_dma source(%dma_start3A_48 : memref<16x128xi32, #tpu.memory_space<hbm>>) target(%arg8 : memref<16x128xi32, #tpu.memory_space<vmem>>) target_semaphore(%run_scoped3A : memref<!tpu.dma_semaphore, #tpu.memory_space<semaphore_mem>>)
        %dma_wait3A = arith.constant 0 : i32
        %dma_wait3A_49 = tpu.memref_slice %arg3[%add3A_25, %dma_wait3A] : memref<2560x128xi32, #tpu.memory_space<hbm>> -> memref<16x128xi32, #tpu.memory_space<hbm>>
        %dma_wait3A_50 = arith.constant 0 : i32
        %dma_wait3A_51 = tpu.memref_slice %arg3[%add3A_25, %dma_wait3A_50] : memref<2560x128xi32, #tpu.memory_space<hbm>> -> memref<16x128xi32, #tpu.memory_space<hbm>>
        tpu.wait_dma2 semaphore(%run_scoped3A : memref<!tpu.dma_semaphore, #tpu.memory_space<semaphore_mem>>) src(%dma_wait3A_51 : memref<16x128xi32, #tpu.memory_space<hbm>>) dst(%arg8 : memref<16x128xi32, #tpu.memory_space<vmem>>)
        tpu.yield
      }) : () -> ()
      %dma_start3A = arith.constant 0 : i32
      %dma_start3A_26 = arith.constant 0 : i32
      %dma_start3A_27 = arith.constant 0 : i32
      %dma_start3A_28 = arith.constant 0 : i32
      %dma_start3A_29 = tpu.memref_slice %arg9[%dma_start3A_26, %dma_start3A_27, %dma_start3A_28] : memref<2x128x128xf32, #tpu.memory_space<vmem>> -> memref<1x128x128xf32, #tpu.memory_space<vmem>>
      %dma_start3A_30 = tpu.memref_squeeze %dma_start3A_29 : memref<1x128x128xf32, #tpu.memory_space<vmem>> -> memref<128x128xf32, #tpu.memory_space<vmem>>
      %dma_start3A_31 = arith.constant 0 : i32
      %dma_start3A_32 = tpu.memref_slice %arg7[%dma_start3A, %dma_start3A_31] : memref<16x128xi32, #tpu.memory_space<vmem>> -> memref<1x128xi32, #tpu.memory_space<vmem>>
      %dma_start3A_33 = tpu.memref_squeeze %dma_start3A_32 : memref<1x128xi32, #tpu.memory_space<vmem>> -> memref<128xi32, #tpu.memory_space<vmem>>
      %dma_start3A_34 = arith.constant 0 : i32
      %dma_start3A_35 = arith.constant 0 : i32
      %dma_start3A_36 = tpu.memref_slice %arg4[%dma_start3A_34, %dma_start3A_35] : memref<10240x128xf32, #tpu.memory_space<hbm>> -> memref<10240x128xf32, #tpu.memory_space<hbm>>
      tpu.enqueue_indirect_dma source(%dma_start3A_36 : memref<10240x128xf32, #tpu.memory_space<hbm>>) target(%dma_start3A_30 : memref<128x128xf32, #tpu.memory_space<vmem>>) offsets(%dma_start3A_33 : memref<128xi32, #tpu.memory_space<vmem>>) semaphore(%arg11 : memref<!tpu.dma_semaphore, #tpu.memory_space<semaphore_mem>>)
      %scan3A_37 = arith.constant 0 : i32
      %scan3A_38 = arith.constant 0 : i32
      %scan3A_39 = arith.constant 8 : i32
      %scan3A_40 = arith.addi %scan3A_38, %scan3A_39 : i32
      %scan3A_41 = arith.constant 1 : i32
      %scan3A_42 = scf.for %scan3A_45 = %scan3A_38 to %scan3A_40 step %scan3A_41 iter_args(%scan3A_46 = %scan3A_37) -> (i32)  : i32 {
        %mul3A_47 = arith.constant 2 : i32
        %mul3A_48 = arith.muli %scan3A_45, %mul3A_47 : i32
        %dma_wait3A = arith.constant 0 : i32
        %dma_wait3A_49 = arith.constant 0 : i32
        %dma_wait3A_50 = arith.constant 0 : i32
        %dma_wait3A_51 = tpu.memref_slice %arg9[%dma_wait3A, %dma_wait3A_49, %dma_wait3A_50] : memref<2x128x128xf32, #tpu.memory_space<vmem>> -> memref<1x128x128xf32, #tpu.memory_space<vmem>>
        %dma_wait3A_52 = tpu.memref_squeeze %dma_wait3A_51 : memref<1x128x128xf32, #tpu.memory_space<vmem>> -> memref<128x128xf32, #tpu.memory_space<vmem>>
        %dma_wait3A_53 = arith.constant 0 : i32
        %dma_wait3A_54 = tpu.memref_slice %arg7[%mul3A_48, %dma_wait3A_53] : memref<16x128xi32, #tpu.memory_space<vmem>> -> memref<1x128xi32, #tpu.memory_space<vmem>>
        %dma_wait3A_55 = tpu.memref_squeeze %dma_wait3A_54 : memref<1x128xi32, #tpu.memory_space<vmem>> -> memref<128xi32, #tpu.memory_space<vmem>>
        %dma_wait3A_56 = arith.constant 0 : i32
        %dma_wait3A_57 = arith.constant 0 : i32
        %dma_wait3A_58 = tpu.memref_slice %arg4[%dma_wait3A_56, %dma_wait3A_57] : memref<10240x128xf32, #tpu.memory_space<hbm>> -> memref<10240x128xf32, #tpu.memory_space<hbm>>
        tpu.wait_indirect_dma semaphore(%arg11 : memref<!tpu.dma_semaphore, #tpu.memory_space<semaphore_mem>>) src(%dma_wait3A_58 : memref<10240x128xf32, #tpu.memory_space<hbm>>) dst(%dma_wait3A_52 : memref<128x128xf32, #tpu.memory_space<vmem>>)
        %add3A_59 = arith.constant 1 : i32
        %add3A_60 = arith.addi %mul3A_48, %add3A_59 : i32
        %dma_start3A_61 = arith.constant 1 : i32
        %dma_start3A_62 = arith.constant 0 : i32
        %dma_start3A_63 = arith.constant 0 : i32
        %dma_start3A_64 = tpu.memref_slice %arg9[%dma_start3A_61, %dma_start3A_62, %dma_start3A_63] : memref<2x128x128xf32, #tpu.memory_space<vmem>> -> memref<1x128x128xf32, #tpu.memory_space<vmem>>
        %dma_start3A_65 = tpu.memref_squeeze %dma_start3A_64 : memref<1x128x128xf32, #tpu.memory_space<vmem>> -> memref<128x128xf32, #tpu.memory_space<vmem>>
        %dma_start3A_66 = arith.constant 0 : i32
        %dma_start3A_67 = tpu.memref_slice %arg7[%add3A_60, %dma_start3A_66] : memref<16x128xi32, #tpu.memory_space<vmem>> -> memref<1x128xi32, #tpu.memory_space<vmem>>
        %dma_start3A_68 = tpu.memref_squeeze %dma_start3A_67 : memref<1x128xi32, #tpu.memory_space<vmem>> -> memref<128xi32, #tpu.memory_space<vmem>>
        %dma_start3A_69 = arith.constant 0 : i32
        %dma_start3A_70 = arith.constant 0 : i32
        %dma_start3A_71 = tpu.memref_slice %arg4[%dma_start3A_69, %dma_start3A_70] : memref<10240x128xf32, #tpu.memory_space<hbm>> -> memref<10240x128xf32, #tpu.memory_space<hbm>>
        tpu.enqueue_indirect_dma source(%dma_start3A_71 : memref<10240x128xf32, #tpu.memory_space<hbm>>) target(%dma_start3A_65 : memref<128x128xf32, #tpu.memory_space<vmem>>) offsets(%dma_start3A_68 : memref<128xi32, #tpu.memory_space<vmem>>) semaphore(%arg12 : memref<!tpu.dma_semaphore, #tpu.memory_space<semaphore_mem>>)
        %run_scoped3A = arith.constant 0 : i32
        "tpu.region"() ({
          %run_scoped3A_93 = tpu.sem_alloc : memref<!tpu.dma_semaphore, #tpu.memory_space<semaphore_mem>>
          %dma_start3A_94 = arith.constant 0 : i32
          %dma_start3A_95 = arith.constant 0 : i32
          %dma_start3A_96 = tpu.memref_slice %arg9[%run_scoped3A, %dma_start3A_94, %dma_start3A_95] : memref<2x128x128xf32, #tpu.memory_space<vmem>> -> memref<1x128x128xf32, #tpu.memory_space<vmem>>
          %dma_start3A_97 = tpu.memref_squeeze %dma_start3A_96 : memref<1x128x128xf32, #tpu.memory_space<vmem>> -> memref<128x128xf32, #tpu.memory_space<vmem>>
          %dma_start3A_98 = arith.constant 0 : i32
          %dma_start3A_99 = tpu.memref_slice %arg8[%mul3A_48, %dma_start3A_98] : memref<16x128xi32, #tpu.memory_space<vmem>> -> memref<1x128xi32, #tpu.memory_space<vmem>>
          %dma_start3A_100 = tpu.memref_squeeze %dma_start3A_99 : memref<1x128xi32, #tpu.memory_space<vmem>> -> memref<128xi32, #tpu.memory_space<vmem>>
          %dma_start3A_101 = arith.constant 0 : i32
          %dma_start3A_102 = arith.constant 0 : i32
          %dma_start3A_103 = tpu.memref_slice %arg10[%dma_start3A_101, %dma_start3A_102] : memref<10240x128xf32, #tpu.memory_space<vmem_shared>> -> memref<10240x128xf32, #tpu.memory_space<vmem_shared>>
          tpu.enqueue_indirect_dma source(%dma_start3A_97 : memref<128x128xf32, #tpu.memory_space<vmem>>) target(%dma_start3A_103 : memref<10240x128xf32, #tpu.memory_space<vmem_shared>>) offsets(%dma_start3A_100 : memref<128xi32, #tpu.memory_space<vmem>>) semaphore(%run_scoped3A_93 : memref<!tpu.dma_semaphore, #tpu.memory_space<semaphore_mem>>) {add = true}
          %dma_wait3A_104 = arith.constant 0 : i32
          %dma_wait3A_105 = arith.constant 0 : i32
          %dma_wait3A_106 = tpu.memref_slice %arg9[%run_scoped3A, %dma_wait3A_104, %dma_wait3A_105] : memref<2x128x128xf32, #tpu.memory_space<vmem>> -> memref<1x128x128xf32, #tpu.memory_space<vmem>>
          %dma_wait3A_107 = tpu.memref_squeeze %dma_wait3A_106 : memref<1x128x128xf32, #tpu.memory_space<vmem>> -> memref<128x128xf32, #tpu.memory_space<vmem>>
          %dma_wait3A_108 = arith.constant 0 : i32
          %dma_wait3A_109 = tpu.memref_slice %arg8[%mul3A_48, %dma_wait3A_108] : memref<16x128xi32, #tpu.memory_space<vmem>> -> memref<1x128xi32, #tpu.memory_space<vmem>>
          %dma_wait3A_110 = tpu.memref_squeeze %dma_wait3A_109 : memref<1x128xi32, #tpu.memory_space<vmem>> -> memref<128xi32, #tpu.memory_space<vmem>>
          %dma_wait3A_111 = arith.constant 0 : i32
          %dma_wait3A_112 = arith.constant 0 : i32
          %dma_wait3A_113 = tpu.memref_slice %arg10[%dma_wait3A_111, %dma_wait3A_112] : memref<10240x128xf32, #tpu.memory_space<vmem_shared>> -> memref<10240x128xf32, #tpu.memory_space<vmem_shared>>
          tpu.wait_indirect_dma semaphore(%run_scoped3A_93 : memref<!tpu.dma_semaphore, #tpu.memory_space<semaphore_mem>>) src(%dma_wait3A_107 : memref<128x128xf32, #tpu.memory_space<vmem>>) dst(%dma_wait3A_113 : memref<10240x128xf32, #tpu.memory_space<vmem_shared>>)
          tpu.yield
        }) : () -> ()
        %add3A_72 = arith.constant 1 : i32
        %add3A_73 = arith.addi %mul3A_48, %add3A_72 : i32
        %dma_wait3A_74 = arith.constant 1 : i32
        %dma_wait3A_75 = arith.constant 0 : i32
        %dma_wait3A_76 = arith.constant 0 : i32
        %dma_wait3A_77 = tpu.memref_slice %arg9[%dma_wait3A_74, %dma_wait3A_75, %dma_wait3A_76] : memref<2x128x128xf32, #tpu.memory_space<vmem>> -> memref<1x128x128xf32, #tpu.memory_space<vmem>>
        %dma_wait3A_78 = tpu.memref_squeeze %dma_wait3A_77 : memref<1x128x128xf32, #tpu.memory_space<vmem>> -> memref<128x128xf32, #tpu.memory_space<vmem>>
        %dma_wait3A_79 = arith.constant 0 : i32
        %dma_wait3A_80 = tpu.memref_slice %arg7[%add3A_73, %dma_wait3A_79] : memref<16x128xi32, #tpu.memory_space<vmem>> -> memref<1x128xi32, #tpu.memory_space<vmem>>
        %dma_wait3A_81 = tpu.memref_squeeze %dma_wait3A_80 : memref<1x128xi32, #tpu.memory_space<vmem>> -> memref<128xi32, #tpu.memory_space<vmem>>
        %dma_wait3A_82 = arith.constant 0 : i32
        %dma_wait3A_83 = arith.constant 0 : i32
        %dma_wait3A_84 = tpu.memref_slice %arg4[%dma_wait3A_82, %dma_wait3A_83] : memref<10240x128xf32, #tpu.memory_space<hbm>> -> memref<10240x128xf32, #tpu.memory_space<hbm>>
        tpu.wait_indirect_dma semaphore(%arg12 : memref<!tpu.dma_semaphore, #tpu.memory_space<semaphore_mem>>) src(%dma_wait3A_84 : memref<10240x128xf32, #tpu.memory_space<hbm>>) dst(%dma_wait3A_78 : memref<128x128xf32, #tpu.memory_space<vmem>>)
        %add3A_85 = arith.constant 2 : i32
        %add3A_86 = arith.addi %mul3A_48, %add3A_85 : i32
        %lt3A = arith.constant 16 : i32
        %lt3A_87 = arith.cmpi slt, %add3A_86, %lt3A : i32
        %convert_element_type3A = arith.extui %lt3A_87 : i1 to i32
        %cond3A = arith.constant 0 : i32
        %cond3A_88 = arith.cmpi ne, %convert_element_type3A, %cond3A : i32
        scf.if %cond3A_88 {
          %add3A_93 = arith.constant 2 : i32
          %add3A_94 = arith.addi %mul3A_48, %add3A_93 : i32
          %dma_start3A_95 = arith.constant 0 : i32
          %dma_start3A_96 = arith.constant 0 : i32
          %dma_start3A_97 = arith.constant 0 : i32
          %dma_start3A_98 = tpu.memref_slice %arg9[%dma_start3A_95, %dma_start3A_96, %dma_start3A_97] : memref<2x128x128xf32, #tpu.memory_space<vmem>> -> memref<1x128x128xf32, #tpu.memory_space<vmem>>
          %dma_start3A_99 = tpu.memref_squeeze %dma_start3A_98 : memref<1x128x128xf32, #tpu.memory_space<vmem>> -> memref<128x128xf32, #tpu.memory_space<vmem>>
          %dma_start3A_100 = arith.constant 0 : i32
          %dma_start3A_101 = tpu.memref_slice %arg7[%add3A_94, %dma_start3A_100] : memref<16x128xi32, #tpu.memory_space<vmem>> -> memref<1x128xi32, #tpu.memory_space<vmem>>
          %dma_start3A_102 = tpu.memref_squeeze %dma_start3A_101 : memref<1x128xi32, #tpu.memory_space<vmem>> -> memref<128xi32, #tpu.memory_space<vmem>>
          %dma_start3A_103 = arith.constant 0 : i32
          %dma_start3A_104 = arith.constant 0 : i32
          %dma_start3A_105 = tpu.memref_slice %arg4[%dma_start3A_103, %dma_start3A_104] : memref<10240x128xf32, #tpu.memory_space<hbm>> -> memref<10240x128xf32, #tpu.memory_space<hbm>>
          tpu.enqueue_indirect_dma source(%dma_start3A_105 : memref<10240x128xf32, #tpu.memory_space<hbm>>) target(%dma_start3A_99 : memref<128x128xf32, #tpu.memory_space<vmem>>) offsets(%dma_start3A_102 : memref<128xi32, #tpu.memory_space<vmem>>) semaphore(%arg11 : memref<!tpu.dma_semaphore, #tpu.memory_space<semaphore_mem>>)
        } else {
        }
        %add3A_89 = arith.constant 1 : i32
        %add3A_90 = arith.addi %mul3A_48, %add3A_89 : i32
        %run_scoped3A_91 = arith.constant 1 : i32
        "tpu.region"() ({
          %run_scoped3A_93 = tpu.sem_alloc : memref<!tpu.dma_semaphore, #tpu.memory_space<semaphore_mem>>
          %dma_start3A_94 = arith.constant 0 : i32
          %dma_start3A_95 = arith.constant 0 : i32
          %dma_start3A_96 = tpu.memref_slice %arg9[%run_scoped3A_91, %dma_start3A_94, %dma_start3A_95] : memref<2x128x128xf32, #tpu.memory_space<vmem>> -> memref<1x128x128xf32, #tpu.memory_space<vmem>>
          %dma_start3A_97 = tpu.memref_squeeze %dma_start3A_96 : memref<1x128x128xf32, #tpu.memory_space<vmem>> -> memref<128x128xf32, #tpu.memory_space<vmem>>
          %dma_start3A_98 = arith.constant 0 : i32
          %dma_start3A_99 = tpu.memref_slice %arg8[%add3A_90, %dma_start3A_98] : memref<16x128xi32, #tpu.memory_space<vmem>> -> memref<1x128xi32, #tpu.memory_space<vmem>>
          %dma_start3A_100 = tpu.memref_squeeze %dma_start3A_99 : memref<1x128xi32, #tpu.memory_space<vmem>> -> memref<128xi32, #tpu.memory_space<vmem>>
          %dma_start3A_101 = arith.constant 0 : i32
          %dma_start3A_102 = arith.constant 0 : i32
          %dma_start3A_103 = tpu.memref_slice %arg10[%dma_start3A_101, %dma_start3A_102] : memref<10240x128xf32, #tpu.memory_space<vmem_shared>> -> memref<10240x128xf32, #tpu.memory_space<vmem_shared>>
          tpu.enqueue_indirect_dma source(%dma_start3A_97 : memref<128x128xf32, #tpu.memory_space<vmem>>) target(%dma_start3A_103 : memref<10240x128xf32, #tpu.memory_space<vmem_shared>>) offsets(%dma_start3A_100 : memref<128xi32, #tpu.memory_space<vmem>>) semaphore(%run_scoped3A_93 : memref<!tpu.dma_semaphore, #tpu.memory_space<semaphore_mem>>) {add = true}
          %dma_wait3A_104 = arith.constant 0 : i32
          %dma_wait3A_105 = arith.constant 0 : i32
          %dma_wait3A_106 = tpu.memref_slice %arg9[%run_scoped3A_91, %dma_wait3A_104, %dma_wait3A_105] : memref<2x128x128xf32, #tpu.memory_space<vmem>> -> memref<1x128x128xf32, #tpu.memory_space<vmem>>
          %dma_wait3A_107 = tpu.memref_squeeze %dma_wait3A_106 : memref<1x128x128xf32, #tpu.memory_space<vmem>> -> memref<128x128xf32, #tpu.memory_space<vmem>>
          %dma_wait3A_108 = arith.constant 0 : i32
          %dma_wait3A_109 = tpu.memref_slice %arg8[%add3A_90, %dma_wait3A_108] : memref<16x128xi32, #tpu.memory_space<vmem>> -> memref<1x128xi32, #tpu.memory_space<vmem>>
          %dma_wait3A_110 = tpu.memref_squeeze %dma_wait3A_109 : memref<1x128xi32, #tpu.memory_space<vmem>> -> memref<128xi32, #tpu.memory_space<vmem>>
          %dma_wait3A_111 = arith.constant 0 : i32
          %dma_wait3A_112 = arith.constant 0 : i32
          %dma_wait3A_113 = tpu.memref_slice %arg10[%dma_wait3A_111, %dma_wait3A_112] : memref<10240x128xf32, #tpu.memory_space<vmem_shared>> -> memref<10240x128xf32, #tpu.memory_space<vmem_shared>>
          tpu.wait_indirect_dma semaphore(%run_scoped3A_93 : memref<!tpu.dma_semaphore, #tpu.memory_space<semaphore_mem>>) src(%dma_wait3A_107 : memref<128x128xf32, #tpu.memory_space<vmem>>) dst(%dma_wait3A_113 : memref<10240x128xf32, #tpu.memory_space<vmem_shared>>)
          tpu.yield
        }) : () -> ()
        %scan3A_92 = arith.constant 0 : i32
        scf.yield %scan3A_92 : i32
      }
      %scan3A_43 = arith.constant 8 : i32
      %scan3A_44 = arith.constant 0 : i32
      scf.yield %scan3A_44 : i32
    }
    %scan3A_10 = arith.constant 5 : i32
    %barrier3A_11 = arith.constant 0 : index
    tpu.barrier barrier_id(%barrier3A_11)
    %mul3A_12 = arith.constant 640 : i32
    %mul3A_13 = arith.muli %arg1, %mul3A_12 : i32
    %mul3A_14 = arith.constant 10240 : i32
    %mul3A_15 = arith.muli %arg0, %mul3A_14 : i32
    %mul3A_16 = arith.constant 640 : i32
    %mul3A_17 = arith.muli %arg1, %mul3A_16 : i32
    %add3A_18 = arith.addi %mul3A_15, %mul3A_17 : i32
    "tpu.region"() ({
      %run_scoped3A = tpu.sem_alloc : memref<!tpu.dma_semaphore, #tpu.memory_space<semaphore_mem>>
      %dma_start3A = arith.constant 0 : i32
      %dma_start3A_19 = tpu.memref_slice %arg6[%add3A_18, %dma_start3A] : memref<20480x128xf32, #tpu.memory_space<hbm>> -> memref<640x128xf32, #tpu.memory_space<hbm>>
      %dma_start3A_20 = arith.constant 0 : i32
      %dma_start3A_21 = tpu.memref_slice %arg10[%mul3A_13, %dma_start3A_20] : memref<10240x128xf32, #tpu.memory_space<vmem_shared>> -> memref<640x128xf32, #tpu.memory_space<vmem_shared>>
      tpu.enqueue_dma source(%dma_start3A_21 : memref<640x128xf32, #tpu.memory_space<vmem_shared>>) target(%dma_start3A_19 : memref<640x128xf32, #tpu.memory_space<hbm>>) target_semaphore(%run_scoped3A : memref<!tpu.dma_semaphore, #tpu.memory_space<semaphore_mem>>)
      %dma_wait3A = arith.constant 0 : i32
      %dma_wait3A_22 = tpu.memref_slice %arg6[%add3A_18, %dma_wait3A] : memref<20480x128xf32, #tpu.memory_space<hbm>> -> memref<640x128xf32, #tpu.memory_space<hbm>>
      %dma_wait3A_23 = arith.constant 0 : i32
      %dma_wait3A_24 = tpu.memref_slice %arg10[%mul3A_13, %dma_wait3A_23] : memref<10240x128xf32, #tpu.memory_space<vmem_shared>> -> memref<640x128xf32, #tpu.memory_space<vmem_shared>>
      tpu.wait_dma2 semaphore(%run_scoped3A : memref<!tpu.dma_semaphore, #tpu.memory_space<semaphore_mem>>) src(%dma_wait3A_24 : memref<640x128xf32, #tpu.memory_space<vmem_shared>>) dst(%dma_wait3A_22 : memref<640x128xf32, #tpu.memory_space<hbm>>)
      tpu.yield
    }) : () -> ()
    return
  }
}

module attributes {stable_mosaic.version = 14 : i64} {
  func.func @_tc_prep_body(%arg0: i32, %arg1: memref<1024x128xf32, #tpu.memory_space<vmem>>, %arg2: memref<1024x128xf32, #tpu.memory_space<vmem>>, %arg3: memref<1024x128xf32, #tpu.memory_space<vmem>>, %arg4: memref<128x128xf32, #tpu.memory_space<vmem>>, %arg5: memref<1024x128xf32, #tpu.memory_space<vmem>>) attributes {dimension_semantics = [#tpu.dimension_semantics<arbitrary>], iteration_bounds = array<i64: 10>, scalar_prefetch = 0 : i64, scratch_operands = 0 : i64, tpu.core_type = #tpu.core_type<tc>, window_params = [{transform_indices = @transform_0, window_bounds = array<i64: 1024, 128>}, {transform_indices = @transform_1, window_bounds = array<i64: 1024, 128>}, {transform_indices = @transform_2, window_bounds = array<i64: 1024, 128>}, {pipeline_mode = #tpu.pipeline_mode<synchronous>, transform_indices = @transform_3, window_bounds = array<i64: 128, 128>}, {transform_indices = @transform_4, window_bounds = array<i64: 1024, 128>}]} {
    %get3A = arith.constant 0 : index
    %get3A_0 = arith.constant 0 : index
    %get3A_1 = vector.load %arg1[%get3A, %get3A_0] : memref<1024x128xf32, #tpu.memory_space<vmem>>, vector<1024x128xf32>
    %get3A_2 = arith.constant 0 : index
    %get3A_3 = arith.constant 0 : index
    %get3A_4 = vector.load %arg2[%get3A_2, %get3A_3] : memref<1024x128xf32, #tpu.memory_space<vmem>>, vector<1024x128xf32>
    %slice3A = vector.extract_strided_slice %get3A_1 {offsets = [0, 0], sizes = [1024, 1], strides = [1, 1]} : vector<1024x128xf32> to vector<1024x1xf32>
    %slice3A_5 = vector.extract_strided_slice %get3A_4 {offsets = [0, 0], sizes = [1024, 1], strides = [1, 1]} : vector<1024x128xf32> to vector<1024x1xf32>
    %add3A = arith.addf %slice3A, %slice3A_5 : vector<1024x1xf32>
    %gt3A = arith.constant 0.000000e+00 : f32
    %gt3A_6 = vector.broadcast %gt3A : f32 to vector<1024x1xf32>
    %gt3A_7 = arith.cmpf ogt, %add3A, %gt3A_6 : vector<1024x1xf32>
    %max3A = arith.constant 9.99999996E-13 : f32
    %max3A_8 = vector.broadcast %max3A : f32 to vector<1024x1xf32>
    %max3A_9 = arith.maximumf %add3A, %max3A_8 : vector<1024x1xf32>
    %rsqrt3A = math.rsqrt %max3A_9 : vector<1024x1xf32>
    %jit3A = arith.constant 0.000000e+00 : f32
    %broadcast_in_dim3A = vector.broadcast %jit3A : f32 to vector<1024x1xf32>
    %select_n3A = arith.select %gt3A_7, %rsqrt3A, %broadcast_in_dim3A : vector<1024x1xi1>, vector<1024x1xf32>
    %get3A_10 = arith.constant 0 : index
    %get3A_11 = arith.constant 0 : index
    %get3A_12 = vector.load %arg3[%get3A_10, %get3A_11] : memref<1024x128xf32, #tpu.memory_space<vmem>>, vector<1024x128xf32>
    %get3A_13 = arith.constant 0 : index
    %get3A_14 = arith.constant 0 : index
    %get3A_15 = vector.load %arg4[%get3A_13, %get3A_14] : memref<128x128xf32, #tpu.memory_space<vmem>>, vector<128x128xf32>
    %dot_general3A = arith.constant dense<0.000000e+00> : vector<1024x128xf32>
    %dot_general3A_16 = tpu.matmul %get3A_12, %get3A_15, %dot_general3A {dimension_numbers = #tpu.dot_dimension_numbers<[1], [0], [0], [1], [0, 0, 1, 1], [], []>, transpose_lhs_hint = false} : vector<1024x128xf32>, vector<128x128xf32>, vector<1024x128xf32> -> vector<1024x128xf32>
    %mul3A = vector.broadcast %select_n3A : vector<1024x1xf32> to vector<1024x128xf32>
    %mul3A_17 = arith.mulf %dot_general3A_16, %mul3A : vector<1024x128xf32>
    %swap3A = arith.constant 0 : index
    %swap3A_18 = arith.constant 0 : index
    %swap3A_19 = vector.load %arg5[%swap3A, %swap3A_18] : memref<1024x128xf32, #tpu.memory_space<vmem>>, vector<1024x128xf32>
    tpu.vector_store %arg5[%swap3A, %swap3A_18], %mul3A_17 {strides = array<i32>} : memref<1024x128xf32, #tpu.memory_space<vmem>>, vector<1024x128xf32>,
    return
  }
  func.func @transform_0(%arg0: i32) -> (i32, i32) {
    %c0_i32 = arith.constant 0 : i32
    %c0_i32_0 = arith.constant 0 : i32
    return %arg0, %c0_i32 : i32, i32
  }
  func.func @transform_1(%arg0: i32) -> (i32, i32) {
    %c0_i32 = arith.constant 0 : i32
    %c0_i32_0 = arith.constant 0 : i32
    return %arg0, %c0_i32 : i32, i32
  }
  func.func @transform_2(%arg0: i32) -> (i32, i32) {
    %c0_i32 = arith.constant 0 : i32
    %c0_i32_0 = arith.constant 0 : i32
    return %arg0, %c0_i32 : i32, i32
  }
  func.func @transform_3(%arg0: i32) -> (i32, i32) {
    %c0_i32 = arith.constant 0 : i32
    %c0_i32_0 = arith.constant 0 : i32
    %c0_i32_1 = arith.constant 0 : i32
    return %c0_i32, %c0_i32_0 : i32, i32
  }
  func.func @transform_4(%arg0: i32) -> (i32, i32) {
    %c0_i32 = arith.constant 0 : i32
    %c0_i32_0 = arith.constant 0 : i32
    return %arg0, %c0_i32 : i32, i32
  }
}

module attributes {stable_mosaic.version = 14 : i64} {
  func.func @_tc_mid_body(%arg0: i32, %arg1: memref<1024x128xf32, #tpu.memory_space<vmem>>, %arg2: memref<1024x128xf32, #tpu.memory_space<vmem>>, %arg3: memref<1024x128xf32, #tpu.memory_space<vmem>>, %arg4: memref<1024x128xf32, #tpu.memory_space<vmem>>, %arg5: memref<1x128xf32, #tpu.memory_space<vmem>>, %arg6: memref<128x128xf32, #tpu.memory_space<vmem>>, %arg7: memref<1024x128xf32, #tpu.memory_space<vmem>>) attributes {dimension_semantics = [#tpu.dimension_semantics<arbitrary>], iteration_bounds = array<i64: 10>, scalar_prefetch = 0 : i64, scratch_operands = 0 : i64, tpu.core_type = #tpu.core_type<tc>, window_params = [{transform_indices = @transform_0, window_bounds = array<i64: 1024, 128>}, {transform_indices = @transform_1, window_bounds = array<i64: 1024, 128>}, {transform_indices = @transform_2, window_bounds = array<i64: 1024, 128>}, {transform_indices = @transform_3, window_bounds = array<i64: 1024, 128>}, {pipeline_mode = #tpu.pipeline_mode<synchronous>, transform_indices = @transform_4, window_bounds = array<i64: 1, 128>}, {pipeline_mode = #tpu.pipeline_mode<synchronous>, transform_indices = @transform_5, window_bounds = array<i64: 128, 128>}, {transform_indices = @transform_6, window_bounds = array<i64: 1024, 128>}]} {
    %get3A = arith.constant 0 : index
    %get3A_0 = arith.constant 0 : index
    %get3A_1 = vector.load %arg3[%get3A, %get3A_0] : memref<1024x128xf32, #tpu.memory_space<vmem>>, vector<1024x128xf32>
    %get3A_2 = arith.constant 0 : index
    %get3A_3 = arith.constant 0 : index
    %get3A_4 = vector.load %arg4[%get3A_2, %get3A_3] : memref<1024x128xf32, #tpu.memory_space<vmem>>, vector<1024x128xf32>
    %slice3A = vector.extract_strided_slice %get3A_1 {offsets = [0, 0], sizes = [1024, 1], strides = [1, 1]} : vector<1024x128xf32> to vector<1024x1xf32>
    %slice3A_5 = vector.extract_strided_slice %get3A_4 {offsets = [0, 0], sizes = [1024, 1], strides = [1, 1]} : vector<1024x128xf32> to vector<1024x1xf32>
    %add3A = arith.addf %slice3A, %slice3A_5 : vector<1024x1xf32>
    %gt3A = arith.constant 0.000000e+00 : f32
    %gt3A_6 = vector.broadcast %gt3A : f32 to vector<1024x1xf32>
    %gt3A_7 = arith.cmpf ogt, %add3A, %gt3A_6 : vector<1024x1xf32>
    %max3A = arith.constant 9.99999996E-13 : f32
    %max3A_8 = vector.broadcast %max3A : f32 to vector<1024x1xf32>
    %max3A_9 = arith.maximumf %add3A, %max3A_8 : vector<1024x1xf32>
    %rsqrt3A = math.rsqrt %max3A_9 : vector<1024x1xf32>
    %jit3A = arith.constant 0.000000e+00 : f32
    %broadcast_in_dim3A = vector.broadcast %jit3A : f32 to vector<1024x1xf32>
    %select_n3A = arith.select %gt3A_7, %rsqrt3A, %broadcast_in_dim3A : vector<1024x1xi1>, vector<1024x1xf32>
    %get3A_10 = arith.constant 0 : index
    %get3A_11 = arith.constant 0 : index
    %get3A_12 = vector.load %arg1[%get3A_10, %get3A_11] : memref<1024x128xf32, #tpu.memory_space<vmem>>, vector<1024x128xf32>
    %get3A_13 = arith.constant 0 : index
    %get3A_14 = arith.constant 0 : index
    %get3A_15 = vector.load %arg2[%get3A_13, %get3A_14] : memref<1024x128xf32, #tpu.memory_space<vmem>>, vector<1024x128xf32>
    %add3A_16 = arith.addf %get3A_12, %get3A_15 : vector<1024x128xf32>
    %mul3A = vector.broadcast %select_n3A : vector<1024x1xf32> to vector<1024x128xf32>
    %mul3A_17 = arith.mulf %add3A_16, %mul3A : vector<1024x128xf32>
    %get3A_18 = arith.constant 0 : index
    %get3A_19 = arith.constant 0 : index
    %get3A_20 = vector.load %arg5[%get3A_18, %get3A_19] : memref<1x128xf32, #tpu.memory_space<vmem>>, vector<1x128xf32>
    %add3A_21 = vector.broadcast %get3A_20 : vector<1x128xf32> to vector<1024x128xf32>
    %add3A_22 = arith.addf %mul3A_17, %add3A_21 : vector<1024x128xf32>
    %gt3A_23 = arith.constant 0.000000e+00 : f32
    %gt3A_24 = vector.broadcast %gt3A_23 : f32 to vector<1024x128xf32>
    %gt3A_25 = arith.cmpf ogt, %add3A_22, %gt3A_24 : vector<1024x128xf32>
    %exp3A = math.exp %add3A_22 : vector<1024x128xf32>
    %sub3A = arith.constant 1.000000e+00 : f32
    %sub3A_26 = vector.broadcast %sub3A : f32 to vector<1024x128xf32>
    %sub3A_27 = arith.subf %exp3A, %sub3A_26 : vector<1024x128xf32>
    %select_n3A_28 = arith.select %gt3A_25, %add3A_22, %sub3A_27 : vector<1024x128xi1>, vector<1024x128xf32>
    %get3A_29 = arith.constant 0 : index
    %get3A_30 = arith.constant 0 : index
    %get3A_31 = vector.load %arg6[%get3A_29, %get3A_30] : memref<128x128xf32, #tpu.memory_space<vmem>>, vector<128x128xf32>
    %dot_general3A = arith.constant dense<0.000000e+00> : vector<1024x128xf32>
    %dot_general3A_32 = tpu.matmul %select_n3A_28, %get3A_31, %dot_general3A {dimension_numbers = #tpu.dot_dimension_numbers<[1], [0], [0], [1], [0, 0, 1, 1], [], []>, transpose_lhs_hint = false} : vector<1024x128xf32>, vector<128x128xf32>, vector<1024x128xf32> -> vector<1024x128xf32>
    %mul3A_33 = vector.broadcast %select_n3A : vector<1024x1xf32> to vector<1024x128xf32>
    %mul3A_34 = arith.mulf %dot_general3A_32, %mul3A_33 : vector<1024x128xf32>
    %swap3A = arith.constant 0 : index
    %swap3A_35 = arith.constant 0 : index
    %swap3A_36 = vector.load %arg7[%swap3A, %swap3A_35] : memref<1024x128xf32, #tpu.memory_space<vmem>>, vector<1024x128xf32>
    tpu.vector_store %arg7[%swap3A, %swap3A_35], %mul3A_34 {strides = array<i32>} : memref<1024x128xf32, #tpu.memory_space<vmem>>, vector<1024x128xf32>,
    return
  }
  func.func @transform_0(%arg0: i32) -> (i32, i32) {
    %c0_i32 = arith.constant 0 : i32
    %c0_i32_0 = arith.constant 0 : i32
    return %arg0, %c0_i32 : i32, i32
  }
  func.func @transform_1(%arg0: i32) -> (i32, i32) {
    %c0_i32 = arith.constant 0 : i32
    %c0_i32_0 = arith.constant 0 : i32
    return %arg0, %c0_i32 : i32, i32
  }
  func.func @transform_2(%arg0: i32) -> (i32, i32) {
    %c0_i32 = arith.constant 0 : i32
    %c0_i32_0 = arith.constant 0 : i32
    return %arg0, %c0_i32 : i32, i32
  }
  func.func @transform_3(%arg0: i32) -> (i32, i32) {
    %c0_i32 = arith.constant 0 : i32
    %c0_i32_0 = arith.constant 0 : i32
    return %arg0, %c0_i32 : i32, i32
  }
  func.func @transform_4(%arg0: i32) -> (i32, i32) {
    %c0_i32 = arith.constant 0 : i32
    %c0_i32_0 = arith.constant 0 : i32
    %c0_i32_1 = arith.constant 0 : i32
    return %c0_i32, %c0_i32_0 : i32, i32
  }
  func.func @transform_5(%arg0: i32) -> (i32, i32) {
    %c0_i32 = arith.constant 0 : i32
    %c0_i32_0 = arith.constant 0 : i32
    %c0_i32_1 = arith.constant 0 : i32
    return %c0_i32, %c0_i32_0 : i32, i32
  }
  func.func @transform_6(%arg0: i32) -> (i32, i32) {
    %c0_i32 = arith.constant 0 : i32
    %c0_i32_0 = arith.constant 0 : i32
    return %arg0, %c0_i32 : i32, i32
  }
}

module attributes {stable_mosaic.version = 14 : i64} {
  func.func @_tc_final_body(%arg0: i32, %arg1: memref<1024x128xf32, #tpu.memory_space<vmem>>, %arg2: memref<1024x128xf32, #tpu.memory_space<vmem>>, %arg3: memref<1024x128xf32, #tpu.memory_space<vmem>>, %arg4: memref<1024x128xf32, #tpu.memory_space<vmem>>, %arg5: memref<1x128xf32, #tpu.memory_space<vmem>>, %arg6: memref<1024x128xf32, #tpu.memory_space<vmem>>) attributes {dimension_semantics = [#tpu.dimension_semantics<arbitrary>], iteration_bounds = array<i64: 10>, scalar_prefetch = 0 : i64, scratch_operands = 0 : i64, tpu.core_type = #tpu.core_type<tc>, window_params = [{transform_indices = @transform_0, window_bounds = array<i64: 1024, 128>}, {transform_indices = @transform_1, window_bounds = array<i64: 1024, 128>}, {transform_indices = @transform_2, window_bounds = array<i64: 1024, 128>}, {transform_indices = @transform_3, window_bounds = array<i64: 1024, 128>}, {pipeline_mode = #tpu.pipeline_mode<synchronous>, transform_indices = @transform_4, window_bounds = array<i64: 1, 128>}, {transform_indices = @transform_5, window_bounds = array<i64: 1024, 128>}]} {
    %get3A = arith.constant 0 : index
    %get3A_0 = arith.constant 0 : index
    %get3A_1 = vector.load %arg3[%get3A, %get3A_0] : memref<1024x128xf32, #tpu.memory_space<vmem>>, vector<1024x128xf32>
    %get3A_2 = arith.constant 0 : index
    %get3A_3 = arith.constant 0 : index
    %get3A_4 = vector.load %arg4[%get3A_2, %get3A_3] : memref<1024x128xf32, #tpu.memory_space<vmem>>, vector<1024x128xf32>
    %slice3A = vector.extract_strided_slice %get3A_1 {offsets = [0, 0], sizes = [1024, 1], strides = [1, 1]} : vector<1024x128xf32> to vector<1024x1xf32>
    %slice3A_5 = vector.extract_strided_slice %get3A_4 {offsets = [0, 0], sizes = [1024, 1], strides = [1, 1]} : vector<1024x128xf32> to vector<1024x1xf32>
    %add3A = arith.addf %slice3A, %slice3A_5 : vector<1024x1xf32>
    %gt3A = arith.constant 0.000000e+00 : f32
    %gt3A_6 = vector.broadcast %gt3A : f32 to vector<1024x1xf32>
    %gt3A_7 = arith.cmpf ogt, %add3A, %gt3A_6 : vector<1024x1xf32>
    %max3A = arith.constant 9.99999996E-13 : f32
    %max3A_8 = vector.broadcast %max3A : f32 to vector<1024x1xf32>
    %max3A_9 = arith.maximumf %add3A, %max3A_8 : vector<1024x1xf32>
    %rsqrt3A = math.rsqrt %max3A_9 : vector<1024x1xf32>
    %jit3A = arith.constant 0.000000e+00 : f32
    %broadcast_in_dim3A = vector.broadcast %jit3A : f32 to vector<1024x1xf32>
    %select_n3A = arith.select %gt3A_7, %rsqrt3A, %broadcast_in_dim3A : vector<1024x1xi1>, vector<1024x1xf32>
    %get3A_10 = arith.constant 0 : index
    %get3A_11 = arith.constant 0 : index
    %get3A_12 = vector.load %arg1[%get3A_10, %get3A_11] : memref<1024x128xf32, #tpu.memory_space<vmem>>, vector<1024x128xf32>
    %get3A_13 = arith.constant 0 : index
    %get3A_14 = arith.constant 0 : index
    %get3A_15 = vector.load %arg2[%get3A_13, %get3A_14] : memref<1024x128xf32, #tpu.memory_space<vmem>>, vector<1024x128xf32>
    %add3A_16 = arith.addf %get3A_12, %get3A_15 : vector<1024x128xf32>
    %mul3A = vector.broadcast %select_n3A : vector<1024x1xf32> to vector<1024x128xf32>
    %mul3A_17 = arith.mulf %add3A_16, %mul3A : vector<1024x128xf32>
    %get3A_18 = arith.constant 0 : index
    %get3A_19 = arith.constant 0 : index
    %get3A_20 = vector.load %arg5[%get3A_18, %get3A_19] : memref<1x128xf32, #tpu.memory_space<vmem>>, vector<1x128xf32>
    %add3A_21 = vector.broadcast %get3A_20 : vector<1x128xf32> to vector<1024x128xf32>
    %add3A_22 = arith.addf %mul3A_17, %add3A_21 : vector<1024x128xf32>
    %gt3A_23 = arith.constant 0.000000e+00 : f32
    %gt3A_24 = vector.broadcast %gt3A_23 : f32 to vector<1024x128xf32>
    %gt3A_25 = arith.cmpf ogt, %add3A_22, %gt3A_24 : vector<1024x128xf32>
    %exp3A = math.exp %add3A_22 : vector<1024x128xf32>
    %sub3A = arith.constant 1.000000e+00 : f32
    %sub3A_26 = vector.broadcast %sub3A : f32 to vector<1024x128xf32>
    %sub3A_27 = arith.subf %exp3A, %sub3A_26 : vector<1024x128xf32>
    %select_n3A_28 = arith.select %gt3A_25, %add3A_22, %sub3A_27 : vector<1024x128xi1>, vector<1024x128xf32>
    %swap3A = arith.constant 0 : index
    %swap3A_29 = arith.constant 0 : index
    %swap3A_30 = vector.load %arg6[%swap3A, %swap3A_29] : memref<1024x128xf32, #tpu.memory_space<vmem>>, vector<1024x128xf32>
    tpu.vector_store %arg6[%swap3A, %swap3A_29], %select_n3A_28 {strides = array<i32>} : memref<1024x128xf32, #tpu.memory_space<vmem>>, vector<1024x128xf32>,
    return
  }
  func.func @transform_0(%arg0: i32) -> (i32, i32) {
    %c0_i32 = arith.constant 0 : i32
    %c0_i32_0 = arith.constant 0 : i32
    return %arg0, %c0_i32 : i32, i32
  }
  func.func @transform_1(%arg0: i32) -> (i32, i32) {
    %c0_i32 = arith.constant 0 : i32
    %c0_i32_0 = arith.constant 0 : i32
    return %arg0, %c0_i32 : i32, i32
  }
  func.func @transform_2(%arg0: i32) -> (i32, i32) {
    %c0_i32 = arith.constant 0 : i32
    %c0_i32_0 = arith.constant 0 : i32
    return %arg0, %c0_i32 : i32, i32
  }
  func.func @transform_3(%arg0: i32) -> (i32, i32) {
    %c0_i32 = arith.constant 0 : i32
    %c0_i32_0 = arith.constant 0 : i32
    return %arg0, %c0_i32 : i32, i32
  }
  func.func @transform_4(%arg0: i32) -> (i32, i32) {
    %c0_i32 = arith.constant 0 : i32
    %c0_i32_0 = arith.constant 0 : i32
    %c0_i32_1 = arith.constant 0 : i32
    return %c0_i32, %c0_i32_0 : i32, i32
  }
  func.func @transform_5(%arg0: i32) -> (i32, i32) {
    %c0_i32 = arith.constant 0 : i32
    %c0_i32_0 = arith.constant 0 : i32
    return %arg0, %c0_i32 : i32, i32
  }
}

</mosaic_0001>

<sc_bundles>
// kernel: kernel.11.cloned.1.call-start
scs
__scs_entry_jumppad:
0x0: {  	(pc) =	sbr.rel $0x88, $3  }
0x1: {  	(tag) =	ssettag $0x0;
	lr =	simm.s32 $0x1  }
0x2: {  	[smem:$0x3F9B] =	sst lr;
	_ =	strace $0xD0000000  }
0x3: {  	_ = 	snop  }
0x4: {  	_ = 	snop  }
0x5: {  	_ = 	snop  }
0x6: {  	_ = 	snop  }
0x7: {  	_ = 	snop  }
__scs_overlays_trampoline_lowered:
0x8: {  	[smem:$0x3FAA] =	sst s0  }
0x9: {  	[smem:$0x3FAB] =	sst s1  }
0xa: {  	[smem:$0x3FAC] =	sst s2  }
0xb: {  	[smem:$0x3FAD] =	sst s3  }
0xc: {  	[smem:$0x3FAE] =	sst s4  }
0xd: {  	[smem:$0x3FAF] =	sst s5  }
0xe: {  	[smem:$0x3FB0] =	sst s6  }
0xf: {  	[smem:$0x3FB1] =	sst s7  }
0x10: {  	[smem:$0x3FB2] =	sst s8  }
0x11: {  	[smem:$0x3FB3] =	sst s9;
	s0 =	simm.s32 @!p0 $0x0  }
0x12: {  	s1 =	sld [smem:$0x3F99];
	s0 =	simm.s32 @p0 $0x1  }
0x13: {  	[smem:$0x3FB4] =	sst s0;
	s0 =	simm.s32 @!p1 $0x0  }
0x14: {  	s2 =	sld [smem:$0x3F98];
	s0 =	simm.s32 @p1 $0x1  }
0x15: {  	[smem:$0x3FB5] =	sst s0;
	s0 =	simm.s32 @!p2 $0x0  }
0x16: {  	s3 =	sld [smem:$0x3FDB];
	s0 =	simm.s32 @p2 $0x1  }
0x17: {  	s4 =	simm.s32 $0x1BF5;
	[smem:$0x3FB7] =	sst s0  }
0x18: {  	s0 =	sld [smem:$0x3F9A];
	_ =	swait.ge [sflag:s4], $0x0  }
0x19: {  	s7 =	sld [smem:$0x3F9B]  }
0x1a: {  	s8 =	sadd.s32 $0xFFFFE003, lr  }
0x1b: {  	s9 =	sadd.s32 $0xFFFFFEF7, lr;
	s5 =	simm.s32 $0xFFFFFFFF;
	p2 =	slt.u32 s8, $0xFFFFF086  }
0x1c: {  	p1 =	slt.u32 s9, $0xF7A;
	s5 =	simm.s32 @!p2 $0x0  }
0x1d: {  	s5 =	simm.s32 @p1 $0x1;
	p0 =	seq.s32 s7, s2  }
0x1e: {  	s7 =	smul.u32 @!p0 $0xF7A, s2;
	p2 =	seq.s32 @!p0 s5, $0x0  }
0x1f: {  	s9 =	smul.u32 $0xF7A, s1;
	s8 =	simm.s32 @!p0 $0x1BF5;
	p2 =	por !p2, p0  }
0x20: {  	[sflag:s8] =	ssyncset.s32 @!p0 $0xFFFFF086;
	s6 =	sadd.s32 @!p0 s3, s7;
	s7 =	simm.s32 @!p0 $0x108  }
0x21: {  	s3 =	sadd.s32 s3, s9;
	s6 =	sadd.s32 @!p0 $0x88, s6;
	s7 =	simm.s32 @p2 $0x1082  }
0x22: {  	[simem:s7], [sflag:s8] =	dma.local @!p0 [hbm:s6], $0xF7A  }
0x23: {  	s9 =	sor.u32 $0xD0000000, s2;
	s6 =	simm.s32 $0x108;
	_ =	swait.ge @!p0 [sflag:s8], $0x0  }
0x24: {  	s3 =	sadd.s32 $0x88, s3;
	s6 =	simm.s32 @!p1 $0x1082;
	[sflag:s4] =	ssyncset.s32 $0xFFFFF086  }
0x25: {  	[simem:s6], [sflag:s4] =	dma.local [hbm:s3], $0xF7A  }
0x26: {  	[smem:$0x3F9B] =	sst s1;
	(tag) =	ssettag s2;
	_ =	strace s9  }
0x27: {  	s1 =	sld [smem:$0x3FAB]  }
0x28: {  	s2 =	sld [smem:$0x3FAC]  }
0x29: {  	s4 =	sld [smem:$0x3FAE]  }
0x2a: {  	p0 =	seq.s32 s5, $0x0;
	s5 =	sld [smem:$0x3FAF]  }
0x2b: {  	s6 =	sld [smem:$0x3FB0]  }
0x2c: {  	s7 =	sld [smem:$0x3FB1]  }
0x2d: {  	s3 =	simm.s32 $0x108;
	s8 =	sld [smem:$0x3FB2]  }
0x2e: {  	s3 =	simm.s32 @!p0 $0x1082;
	s9 =	sld [smem:$0x3FB3]  }
0x2f: {  	lr =	sadd.s32 s0, s3;
	s0 =	sld [smem:$0x3FAA]  }
0x30: {  	s3 =	sld [smem:$0x3FAD]  }
0x31: {  	[smem:$0x3FB6] =	sst s10  }
0x32: {  	s10 =	sld [smem:$0x3FB4];
	_ =	sdelay $0x3  }
0x33: {  	p0 =	seq.s32 s10, $0x1;
	s10 =	sld [smem:$0x3FB6];
	_ =	sdelay $0x3  }
0x34: {  	[smem:$0x3FB6] =	sst s10  }
0x35: {  	s10 =	sld [smem:$0x3FB5];
	_ =	sdelay $0x3  }
0x36: {  	p1 =	seq.s32 s10, $0x1;
	s10 =	sld [smem:$0x3FB6];
	_ =	sdelay $0x3  }
0x37: {  	[smem:$0x3FB6] =	sst s10  }
0x38: {  	s10 =	sld [smem:$0x3FB7]  }
0x39: {  	_ = 	snop;
	(pc) =	sbr.ind lr, $3  }
0x3a: {  	_ = 	snop  }
0x3b: {  	_ = 	snop  }
0x3c: {  	p2 =	seq.s32 s10, $0x1;
	s10 =	sld [smem:$0x3FB6]  }
0x3d: {  	_ =	shalt  }
0x3e: {  	_ =	shalt  }
0x3f: {  	_ =	shalt  }
0x40: {  	_ =	shalt  }
0x41: {  	_ =	shalt  }
0x42: {  	_ =	shalt  }
0x43: {  	_ =	shalt  }
0x44: {  	_ =	shalt  }
0x45: {  	_ =	shalt  }
0x46: {  	_ =	shalt  }
0x47: {  	_ =	shalt  }
0x48: {  	_ =	shalt  }
0x49: {  	_ =	shalt  }
0x4a: {  	_ =	shalt  }
0x4b: {  	_ =	shalt  }
0x4c: {  	_ =	shalt  }
0x4d: {  	_ =	shalt  }
0x4e: {  	_ =	shalt  }
0x4f: {  	_ =	shalt  }
0x50: {  	_ =	shalt  }
0x51: {  	_ =	shalt  }
0x52: {  	_ =	shalt  }
0x53: {  	_ =	shalt  }
0x54: {  	_ =	shalt  }
0x55: {  	_ =	shalt  }
0x56: {  	_ =	shalt  }
0x57: {  	_ =	shalt  }
0x58: {  	_ =	shalt  }
0x59: {  	_ =	shalt  }
0x5a: {  	_ =	shalt  }
0x5b: {  	_ =	shalt  }
0x5c: {  	_ =	shalt  }
0x5d: {  	_ =	shalt  }
0x5e: {  	_ =	shalt  }
0x5f: {  	_ =	shalt  }
0x60: {  	_ =	shalt  }
0x61: {  	_ =	shalt  }
0x62: {  	_ =	shalt  }
0x63: {  	_ =	shalt  }
0x64: {  	_ =	shalt  }
0x65: {  	_ =	shalt  }
0x66: {  	_ =	shalt  }
0x67: {  	_ =	shalt  }
0x68: {  	_ =	shalt  }
0x69: {  	_ =	shalt  }
0x6a: {  	_ =	shalt  }
0x6b: {  	_ =	shalt  }
0x6c: {  	_ =	shalt  }
0x6d: {  	_ =	shalt  }
0x6e: {  	_ =	shalt  }
0x6f: {  	_ =	shalt  }
0x70: {  	_ =	shalt  }
0x71: {  	_ =	shalt  }
0x72: {  	_ =	shalt  }
0x73: {  	_ =	shalt  }
0x74: {  	_ =	shalt  }
0x75: {  	_ =	shalt  }
0x76: {  	_ =	shalt  }
0x77: {  	_ =	shalt  }
0x78: {  	_ =	shalt  }
0x79: {  	_ =	shalt  }
0x7a: {  	_ =	shalt  }
0x7b: {  	_ =	shalt  }
0x7c: {  	_ =	shalt  }
0x7d: {  	_ =	shalt  }
0x7e: {  	_ =	shalt  }
0x7f: {  	_ =	shalt  }
0x80: {  	_ =	shalt  }
0x81: {  	_ =	shalt  }
0x82: {  	_ =	shalt  }
0x83: {  	_ =	shalt  }
0x84: {  	_ =	shalt  }
0x85: {  	_ =	shalt  }
0x86: {  	_ =	shalt  }
0x87: {  	_ =	shalt  }
.Lfunc_end0:
.L_simem_size_0:
called_computation.1_lowered:
.L_overlay_start_0:
0x88: {  	s2 =	sld [smem:$0x3FD9]  }
0x89: {  	s3 =	sld [smem:$0x3FFE];
	_ =	sdelay $0x1  }
0x8a: {  	s1 =	srdreg.scid  }
0x8b: {  	s0 =	sand.u32 $0x1, s1  }
0x8c: {  	s17 =	sshll.u32 s0, $0xA;
	s2 =	sadd.s32 s3, s2  }
0x8d: {  	s2 =	sadd.s32 s2, s17  }
0x8e: {  	[smem:$0x3FC2] =	sst s2  }
0x8f: {  	_ = 	snop  }
0x90: {  	s2 =	sld [smem:$0x3FD0];
	(tm) =	ssettm $0x1  }
0x91: {  	s18 =	sld [smem:$0x3FFB];
	_ =	sdelay $0x3  }
0x92: {  	_ =	strace s18  }
0x93: {  	s3 =	sld [smem:$0x3FFC];
	_ =	sdelay $0x3  }
0x94: {  	_ =	strace s3  }
0x95: {  	s3 =	sld [smem:$0x3FFD];
	_ =	sdelay $0x3  }
0x96: {  	_ =	strace s3  }
0x97: {  	_ =	strace $0x8FFFFFFF  }
0x98: {  	s19 =	sld [smem:$0x3FDB];
	_ =	sdelay $0x1  }
0x99: {  	s4 =	simm.s32 $_scs_section_size  }
0x9a: {  	s5 =	simm.s32 $_size__tile_overlayer_lowered;
	s6 =	simm.s32 $_tile_overlayer_lowered  }
0x9b: {  	s22 =	simm.s32 $0x1BFF;
	s21 =	sshll.u32 s6, $0x1;
	s3 =	sadd.s32 s4, s19  }
0x9c: {  	s7 =	simm.s32 $0x0;
	s20 =	sshll.u32 s5, $0x1;
	s5 =	sadd.s32 s21, s3  }
0x9d: {  	[timem:s7], [sflag:s22] =	dma.local [hbm:s5], s20  }
0x9e: {  	_ =	swait.ge [sflag:s22], s20  }
0x9f: {  	s4 =	ssub.s32 $0x0, s20;
	[sflag:s22] =	ssyncset.done $0x0  }
0xa0: {  	[sflag:s22] =	ssyncadd.s32 s4;
	_ =	sdelay $0x1  }
0xa1: {  	s23 =	simm.s32 $0x1B8B  }
0xa2: {  	_ =	swait.ge [sflag:s23], $0x1  }
0xa3: {  	[sflag:s23] =	ssyncset.done $0x0  }
0xa4: {  	s25 =	simm.s32 $0x1B8E;
	s24 =	sld [smem:$0x3FFE];
	[sflag:s23] =	ssyncadd.s32 $0xFFFFFFFF  }
0xa5: {  	s26 =	simm.s32 $execute0_lowered;
	[smem:$0x3FD2] =	sst s25  }
0xa6: {  	s5 =	sshll.u32 s26, $0x1;
	_ =	strace $0x80000049;
	[dreg:$0x1] =	wrdreg $0xFFFFFFFF  }
0xa7: {  	s28 =	simm.s32 $_size_execute0_lowered;
	s3 =	sadd.s32 s3, s5;
	[dreg:$0x0] =	wrdreg $0x0  }
0xa8: {  	s5 =	sshll.u32 s28, $0x1;
	[dreg:$0x2] =	wrdreg s3  }
0xa9: {  	[dreg:$0x3] =	wrdreg s5  }
0xaa: {  	[dreg:$0x4] =	wrdreg $0xC0  }
0xab: {  	_ =	task [dreg:s7], $0x5FFFF  }
0xac: {  	[dreg:$0x1] =	wrdreg $0xFFFFFFFF  }
0xad: {  	[dreg:$0x0] =	wrdreg $0x60  }
0xae: {  	[dreg:$0x2] =	wrdreg s24  }
0xaf: {  	[dreg:$0x3] =	wrdreg s2  }
0xb0: {  	[dreg:$0x4] =	wrdreg $0x90000  }
0xb1: {  	[dreg:$0x5] =	wrdreg $0x9  }
0xb2: {  	_ =	task.clear_ibuf [dreg:s7], $0x6FFFF;
	_ =	strace $0x90000049  }
0xb3: {  	s29 =	simm.s32 $0x9;
	_ =	strace $0x8000004B  }
0xb4: {  	_ =	swait.ge [sflag:s29], $0x1  }
0xb5: {  	[sflag:s29] =	ssyncadd.s32 $0xFFFFFFFF  }
0xb6: {  	_ =	strace $0x9000004B  }
0xb7: {  	_ =	sfence  }
0xb8: {  	s30 =	sld [smem:$0x0];
	_ =	sdelay $0x2  }
0xb9: {  	s31 =	sshll.u32 s1, $0xD;
	s1 =	sshrl.u32 s1, $0x2  }
0xba: {  	s3 =	sand.u32 $0x4000, s31;
	s1 =	sadd.s32 s1, s30  }
0xbb: {  	s0 =	sor.u32 s3, s0;
	s1 =	sshll.u32 s1, $0x11  }
0xbc: {  	s0 =	sor.u32 s1, s0  }
0xbd: {  	s0 =	sadd.s32 $0x8F2B, s0  }
0xbe: {  	[sflag:s0] =	ssyncadd.remote.s32 $0x1  }
0xbf: {  	_ =	sfence.sel $0xFFFF  }
0xc0: {  	[dreg:$0x0] =	wrdreg $0xFFFFFFFF;
	(pc) =	sbr.abs _section_cstart, $3  }
0xc1: {  	[dreg:$0x1] =	wrdreg $0xFFFFFFFF  }
0xc2: {  	_ =	task.clear_ibuf [dreg:s7], $0x2FFFF;
	_ =	strace $0x9FFFFFFF  }
0xc3: {  	(tm) =	ssettm $0x7FFFFFFF  }
tec
execute0_lowered:
.L_overlay_start_1:
0x0: {  	(tag) =	ssettag $0x1  }
0x1: {  	s1 =	rddreg [dreg:$0x0]  }
0x2: {  	s0 =	srdreg.scid;
	s5 =	rddreg [dreg:$0x1]  }
0x3: {  	s12 =	stileid.u32;
	s2 =	rddreg [dreg:$0x2];
	s3 =	simm.s32 $0x0  }
0x4: {  	s13 =	simm.s32 $0x100;
	s15 =	simm.s32 $0x880;
	s17 =	simm.s32 $0x180  }
0x5: {  	s18 =	simm.s32 $0x900;
	s19 =	simm.s32 $0x200;
	[smem:$0x7FF] =	sst s3  }
0x6: {  	s20 =	simm.s32 $0x980;
	_ =	strace $0x8000004A;
	[dreg:$0x6] =	wrdreg s13  }
0x7: {  	s21 =	simm.s32 $0x280;
	s22 =	simm.s32 $0xA00;
	[dreg:$0x7] =	wrdreg s15  }
0x8: {  	s23 =	simm.s32 $0x300;
	s24 =	simm.s32 $0xA80;
	[dreg:$0x8] =	wrdreg s17  }
0x9: {  	s25 =	simm.s32 $0x380;
	s28 =	simm.s32 $0x680;
	[dreg:$0x9] =	wrdreg s18  }
0xa: {  	s29 =	simm.s32 $0xE00;
	s30 =	simm.s32 $0x700;
	[dreg:$0xa] =	wrdreg s19  }
0xb: {  	s31 =	simm.s32 $0xE80;
	s4 =	smul.u32 $0x5000, s12;
	[dreg:$0xb] =	wrdreg s20  }
0xc: {  	s0 =	sand.u32 $0x1, s0;
	s7 =	smul.u32 $0x2800, s12;
	[dreg:$0xc] =	wrdreg s21  }
0xd: {  	s11 =	smul.u32 $0x50000, s12;
	s16 =	sshll.u32 s12, $0x6;
	[dreg:$0xd] =	wrdreg s22  }
0xe: {  	s12 =	simm.s32 $0x80;
	s6 =	smul.u32 $0x2800, s0;
	[dreg:$0xe] =	wrdreg s23  }
0xf: {  	s9 =	smul.u32 $0x28000, s0;
	s0 =	ssub.s32 $0x2, s0;
	[dreg:$0xf] =	wrdreg s24  }
0x10: {  	s13 =	simm.s32 $0x1000;
	[dreg:$0x10] =	wrdreg s25;
	s15 =	simm.s32 $0x5000  }
0x11: {  	s17 =	simm.s32 $0x400;
	s18 =	simm.s32 $0xB80;
	s19 =	simm.s32 $0x480  }
0x12: {  	s20 =	simm.s32 $0xC00;
	s21 =	simm.s32 $0x500;
	s22 =	simm.s32 $0xC80  }
0x13: {  	s23 =	simm.s32 $0x580;
	s24 =	simm.s32 $0xD00;
	s25 =	simm.s32 $0x600  }
0x14: {  	s10 =	sadd.s32 s7, s1;
	s26 =	sshrl.u32 s0, $0x1;
	s4 =	sadd.s32 s6, s4  }
0x15: {  	s7 =	sadd.s32 s7, s9;
	s0 =	ssub.s32 s0, s26;
	s9 =	sshrl.u32 s11, $0x2  }
0x16: {  	s14 =	sadd.s32 $0xCA00, s10;
	s10 =	simm.s32 $0x3;
	s26 =	simm.s32 $0xB00  }
0x17: {  	s6 =	sshrl.u32 s4, $0x3;
	s4 =	sadd.s32 $0x5CA00, s1;
	[dreg:$0x12] =	wrdreg s14  }
0x18: {  	s0 =	smax.u32 s0, $0x1;
	s14 =	simm.s32 $0x1;
	[dreg:$0x11] =	wrdreg s26  }
0x19: {  	s26 =	simm.s32 $0xD80;
	s8 =	sadd.s32 s6, s1;
	s1 =	sadd.s32 s7, s1  }
0x1a: {  	s5 =	sadd.s32 s6, s5;
	s6 =	sadd.s32 s9, s2;
	[dreg:$0x15] =	wrdreg s0  }
0x1b: {  	s7 =	sor.u32 $0x1C03, s16;
	s16 =	simm.s32 $0x2;
	[dreg:$0x4] =	wrdreg s5  }
0x1c: {  	s0 =	simm.s32 $0xF00;
	s11 =	sadd.s32 $0x2200, s8;
	[dreg:$0x13] =	wrdreg s7  }
0x1d: {  	s9 =	simm.s32 $0x0;
	s1 =	sadd.s32 $0x84A00, s1;
	[dreg:$0x5] =	wrdreg s11  }
0x1e: {  	s8 =	sshrl.u32 s6, $0x3;
	s5 =	simm.s32 $0xF80;
	[dreg:$0x14] =	wrdreg s1  }
0x1f: {  	s11 =	simm.s32 $0x800;
	s1 =	simm.s32 $0x780;
	[dreg:$0x16] =	wrdreg s8  }
.LBB2_1:
0x20: {  	[dreg:$0x17] =	wrdreg s9  }
0x21: {  	s6 =	rddreg [dreg:$0x12]  }
0x22: {  	[spmem:s8], [sflag:s7] =	dma.local [hbm:s6], $0x2800  }
0x23: {  	_ =	swait.ge [sflag:s10], $0x2800  }
0x24: {  	[sflag:s10] =	ssyncset.done $0x0  }
0x25: {  	[sflag:s10] =	ssyncadd.s32 $0xFFFFD800  }
0x26: {  	[bflag:$0x0] =	sbarrier.arrive $0xFFFF  }
0x27: {  	s7 =	rddreg [dreg:$0x5]  }
0x28: {  	s6 =	sadd.s32 $0x0, s7  }
0x29: {  	[tilespmem:s3], [sflag:$0x3] =	stream.linear.gather [hbm4b:s6+s3], $0x800, $0x38;
	[tilespmem:$0x1D000] =	vst v63  }
0x2a: {  	_ =	swait.ge [sflag:s10], $0x800  }
0x2b: {  	s8 =	rddreg [dreg:$0x4];
	[sflag:s10] =	ssyncset.done $0x0  }
0x2c: {  	[sflag:s10] =	ssyncadd.s32 $0xFFFFF800;
	s6 =	sadd.s32 $0x0, s8  }
0x2d: {  	[tilespmem:s11], [sflag:$0x3] =	stream.linear.gather [hbm4b:s6+s3], $0x800, $0x38;
	[tilespmem:$0x1D000] =	vst v63  }
0x2e: {  	_ =	swait.ge [sflag:s10], $0x800  }
0x2f: {  	[sflag:s10] =	ssyncset.done $0x0  }
0x30: {  	[sflag:s10] =	ssyncadd.s32 $0xFFFFF800  }
0x31: {  	[tilespmem:s13], [sflag:$0x1] =	stream.indirect.gather [hbm4b:s4+s12], $0x80, s3, s12, $0xb8;
	[tilespmem:$0x1D000] =	vst v63  }
0x32: {  	_ =	swait.ge [sflag:s14], $0x4000  }
0x33: {  	[sflag:s14] =	ssyncset.done $0x0  }
0x34: {  	[sflag:s14] =	ssyncadd.s32 $0xFFFFC000  }
0x35: {  	[tilespmem:s15], [sflag:$0x2] =	stream.indirect.gather [hbm4b:s4+s12], $0x80, s12, s12, $0xb8;
	[tilespmem:$0x1D000] =	vst v63  }
0x36: {  	_ = 	snop  }
0x37: {  	[spmem:s2] =	stream.indirect.scatter.add.f32 [tilespmem:s13], [sflag:$0x3], $0x80, s11, s12, $0xb8;
	[tilespmem:$0x1D000] =	vst v63  }
0x38: {  	_ =	swait.ge [sflag:s10], $0x4000  }
0x39: {  	[sflag:s10] =	ssyncset.done $0x0  }
0x3a: {  	[sflag:s10] =	ssyncadd.s32 $0xFFFFC000  }
0x3b: {  	_ =	swait.ge [sflag:s16], $0x4000  }
0x3c: {  	[sflag:s16] =	ssyncset.done $0x0  }
0x3d: {  	s9 =	rddreg [dreg:$0x6];
	[sflag:s16] =	ssyncadd.s32 $0xFFFFC000  }
0x3e: {  	[tilespmem:s13], [sflag:$0x1] =	stream.indirect.gather [hbm4b:s4+s12], $0x80, s9, s12, $0xb8;
	[tilespmem:$0x1D000] =	vst v63  }
0x3f: {  	s7 =	rddreg [dreg:$0x7]  }
0x40: {  	[spmem:s2] =	stream.indirect.scatter.add.f32 [tilespmem:s15], [sflag:$0x3], $0x80, s7, s12, $0xb8;
	[tilespmem:$0x1D000] =	vst v63  }
0x41: {  	_ =	swait.ge [sflag:s10], $0x4000  }
0x42: {  	[sflag:s10] =	ssyncset.done $0x0  }
0x43: {  	[sflag:s10] =	ssyncadd.s32 $0xFFFFC000  }
0x44: {  	_ =	swait.ge [sflag:s14], $0x4000  }
0x45: {  	[sflag:s14] =	ssyncset.done $0x0  }
0x46: {  	s9 =	rddreg [dreg:$0x8];
	[sflag:s14] =	ssyncadd.s32 $0xFFFFC000  }
0x47: {  	[tilespmem:s15], [sflag:$0x2] =	stream.indirect.gather [hbm4b:s4+s12], $0x80, s9, s12, $0xb8;
	[tilespmem:$0x1D000] =	vst v63  }
0x48: {  	s7 =	rddreg [dreg:$0x9]  }
0x49: {  	[spmem:s2] =	stream.indirect.scatter.add.f32 [tilespmem:s13], [sflag:$0x3], $0x80, s7, s12, $0xb8;
	[tilespmem:$0x1D000] =	vst v63  }
0x4a: {  	_ =	swait.ge [sflag:s10], $0x4000  }
0x4b: {  	[sflag:s10] =	ssyncset.done $0x0  }
0x4c: {  	[sflag:s10] =	ssyncadd.s32 $0xFFFFC000  }
0x4d: {  	_ =	swait.ge [sflag:s16], $0x4000  }
0x4e: {  	[sflag:s16] =	ssyncset.done $0x0  }
0x4f: {  	s9 =	rddreg [dreg:$0xa];
	[sflag:s16] =	ssyncadd.s32 $0xFFFFC000  }
0x50: {  	[tilespmem:s13], [sflag:$0x1] =	stream.indirect.gather [hbm4b:s4+s12], $0x80, s9, s12, $0xb8;
	[tilespmem:$0x1D000] =	vst v63  }
0x51: {  	s7 =	rddreg [dreg:$0xb]  }
0x52: {  	[spmem:s2] =	stream.indirect.scatter.add.f32 [tilespmem:s15], [sflag:$0x3], $0x80, s7, s12, $0xb8;
	[tilespmem:$0x1D000] =	vst v63  }
0x53: {  	_ =	swait.ge [sflag:s10], $0x4000  }
0x54: {  	[sflag:s10] =	ssyncset.done $0x0  }
0x55: {  	[sflag:s10] =	ssyncadd.s32 $0xFFFFC000  }
0x56: {  	_ =	swait.ge [sflag:s14], $0x4000  }
0x57: {  	[sflag:s14] =	ssyncset.done $0x0  }
0x58: {  	s9 =	rddreg [dreg:$0xc];
	[sflag:s14] =	ssyncadd.s32 $0xFFFFC000  }
0x59: {  	[tilespmem:s15], [sflag:$0x2] =	stream.indirect.gather [hbm4b:s4+s12], $0x80, s9, s12, $0xb8;
	[tilespmem:$0x1D000] =	vst v63  }
0x5a: {  	s7 =	rddreg [dreg:$0xd]  }
0x5b: {  	[spmem:s2] =	stream.indirect.scatter.add.f32 [tilespmem:s13], [sflag:$0x3], $0x80, s7, s12, $0xb8;
	[tilespmem:$0x1D000] =	vst v63  }
0x5c: {  	_ =	swait.ge [sflag:s10], $0x4000  }
0x5d: {  	[sflag:s10] =	ssyncset.done $0x0  }
0x5e: {  	[sflag:s10] =	ssyncadd.s32 $0xFFFFC000  }
0x5f: {  	_ =	swait.ge [sflag:s16], $0x4000  }
0x60: {  	[sflag:s16] =	ssyncset.done $0x0  }
0x61: {  	s9 =	rddreg [dreg:$0xe];
	[sflag:s16] =	ssyncadd.s32 $0xFFFFC000  }
0x62: {  	[tilespmem:s13], [sflag:$0x1] =	stream.indirect.gather [hbm4b:s4+s12], $0x80, s9, s12, $0xb8;
	[tilespmem:$0x1D000] =	vst v63  }
0x63: {  	s7 =	rddreg [dreg:$0xf]  }
0x64: {  	[spmem:s2] =	stream.indirect.scatter.add.f32 [tilespmem:s15], [sflag:$0x3], $0x80, s7, s12, $0xb8;
	[tilespmem:$0x1D000] =	vst v63  }
0x65: {  	_ =	swait.ge [sflag:s10], $0x4000  }
0x66: {  	[sflag:s10] =	ssyncset.done $0x0  }
0x67: {  	[sflag:s10] =	ssyncadd.s32 $0xFFFFC000  }
0x68: {  	_ =	swait.ge [sflag:s14], $0x4000  }
0x69: {  	[sflag:s14] =	ssyncset.done $0x0  }
0x6a: {  	s8 =	rddreg [dreg:$0x10];
	[sflag:s14] =	ssyncadd.s32 $0xFFFFC000  }
0x6b: {  	[tilespmem:s15], [sflag:$0x2] =	stream.indirect.gather [hbm4b:s4+s12], $0x80, s8, s12, $0xb8;
	[tilespmem:$0x1D000] =	vst v63  }
0x6c: {  	s9 =	rddreg [dreg:$0x11]  }
0x6d: {  	[spmem:s2] =	stream.indirect.scatter.add.f32 [tilespmem:s13], [sflag:$0x3], $0x80, s9, s12, $0xb8;
	[tilespmem:$0x1D000] =	vst v63  }
0x6e: {  	_ =	swait.ge [sflag:s10], $0x4000  }
0x6f: {  	[sflag:s10] =	ssyncset.done $0x0  }
0x70: {  	[sflag:s10] =	ssyncadd.s32 $0xFFFFC000  }
0x71: {  	_ =	swait.ge [sflag:s16], $0x4000  }
0x72: {  	[sflag:s16] =	ssyncset.done $0x0  }
0x73: {  	[sflag:s16] =	ssyncadd.s32 $0xFFFFC000  }
0x74: {  	[tilespmem:s13], [sflag:$0x1] =	stream.indirect.gather [hbm4b:s4+s12], $0x80, s17, s12, $0xb8;
	[tilespmem:$0x1D000] =	vst v63  }
0x75: {  	_ = 	snop  }
0x76: {  	[spmem:s2] =	stream.indirect.scatter.add.f32 [tilespmem:s15], [sflag:$0x3], $0x80, s18, s12, $0xb8;
	[tilespmem:$0x1D000] =	vst v63  }
0x77: {  	_ =	swait.ge [sflag:s10], $0x4000  }
0x78: {  	[sflag:s10] =	ssyncset.done $0x0  }
0x79: {  	[sflag:s10] =	ssyncadd.s32 $0xFFFFC000  }
0x7a: {  	_ =	swait.ge [sflag:s14], $0x4000  }
0x7b: {  	[sflag:s14] =	ssyncset.done $0x0  }
0x7c: {  	[sflag:s14] =	ssyncadd.s32 $0xFFFFC000  }
0x7d: {  	[tilespmem:s15], [sflag:$0x2] =	stream.indirect.gather [hbm4b:s4+s12], $0x80, s19, s12, $0xb8;
	[tilespmem:$0x1D000] =	vst v63  }
0x7e: {  	_ = 	snop  }
0x7f: {  	[spmem:s2] =	stream.indirect.scatter.add.f32 [tilespmem:s13], [sflag:$0x3], $0x80, s20, s12, $0xb8;
	[tilespmem:$0x1D000] =	vst v63  }
0x80: {  	_ =	swait.ge [sflag:s10], $0x4000  }
0x81: {  	[sflag:s10] =	ssyncset.done $0x0  }
0x82: {  	[sflag:s10] =	ssyncadd.s32 $0xFFFFC000  }
0x83: {  	_ =	swait.ge [sflag:s16], $0x4000  }
0x84: {  	[sflag:s16] =	ssyncset.done $0x0  }
0x85: {  	[sflag:s16] =	ssyncadd.s32 $0xFFFFC000  }
0x86: {  	[tilespmem:s13], [sflag:$0x1] =	stream.indirect.gather [hbm4b:s4+s12], $0x80, s21, s12, $0xb8;
	[tilespmem:$0x1D000] =	vst v63  }
0x87: {  	_ = 	snop  }
0x88: {  	[spmem:s2] =	stream.indirect.scatter.add.f32 [tilespmem:s15], [sflag:$0x3], $0x80, s22, s12, $0xb8;
	[tilespmem:$0x1D000] =	vst v63  }
0x89: {  	_ =	swait.ge [sflag:s10], $0x4000  }
0x8a: {  	[sflag:s10] =	ssyncset.done $0x0  }
0x8b: {  	[sflag:s10] =	ssyncadd.s32 $0xFFFFC000  }
0x8c: {  	_ =	swait.ge [sflag:s14], $0x4000  }
0x8d: {  	[sflag:s14] =	ssyncset.done $0x0  }
0x8e: {  	[sflag:s14] =	ssyncadd.s32 $0xFFFFC000  }
0x8f: {  	[tilespmem:s15], [sflag:$0x2] =	stream.indirect.gather [hbm4b:s4+s12], $0x80, s23, s12, $0xb8;
	[tilespmem:$0x1D000] =	vst v63  }
0x90: {  	_ = 	snop  }
0x91: {  	[spmem:s2] =	stream.indirect.scatter.add.f32 [tilespmem:s13], [sflag:$0x3], $0x80, s24, s12, $0xb8;
	[tilespmem:$0x1D000] =	vst v63  }
0x92: {  	_ =	swait.ge [sflag:s10], $0x4000  }
0x93: {  	[sflag:s10] =	ssyncset.done $0x0  }
0x94: {  	[sflag:s10] =	ssyncadd.s32 $0xFFFFC000  }
0x95: {  	_ =	swait.ge [sflag:s16], $0x4000  }
0x96: {  	[sflag:s16] =	ssyncset.done $0x0  }
0x97: {  	[sflag:s16] =	ssyncadd.s32 $0xFFFFC000  }
0x98: {  	[tilespmem:s13], [sflag:$0x1] =	stream.indirect.gather [hbm4b:s4+s12], $0x80, s25, s12, $0xb8;
	[tilespmem:$0x1D000] =	vst v63  }
0x99: {  	_ = 	snop  }
0x9a: {  	[spmem:s2] =	stream.indirect.scatter.add.f32 [tilespmem:s15], [sflag:$0x3], $0x80, s26, s12, $0xb8;
	[tilespmem:$0x1D000] =	vst v63  }
0x9b: {  	_ =	swait.ge [sflag:s10], $0x4000  }
0x9c: {  	[sflag:s10] =	ssyncset.done $0x0  }
0x9d: {  	[sflag:s10] =	ssyncadd.s32 $0xFFFFC000  }
0x9e: {  	_ =	swait.ge [sflag:s14], $0x4000  }
0x9f: {  	[sflag:s14] =	ssyncset.done $0x0  }
0xa0: {  	[sflag:s14] =	ssyncadd.s32 $0xFFFFC000  }
0xa1: {  	[tilespmem:s15], [sflag:$0x2] =	stream.indirect.gather [hbm4b:s4+s12], $0x80, s28, s12, $0xb8;
	[tilespmem:$0x1D000] =	vst v63  }
0xa2: {  	_ = 	snop  }
0xa3: {  	[spmem:s2] =	stream.indirect.scatter.add.f32 [tilespmem:s13], [sflag:$0x3], $0x80, s29, s12, $0xb8;
	[tilespmem:$0x1D000] =	vst v63  }
0xa4: {  	_ =	swait.ge [sflag:s10], $0x4000  }
0xa5: {  	[sflag:s10] =	ssyncset.done $0x0  }
0xa6: {  	[sflag:s10] =	ssyncadd.s32 $0xFFFFC000  }
0xa7: {  	_ =	swait.ge [sflag:s16], $0x4000  }
0xa8: {  	[sflag:s16] =	ssyncset.done $0x0  }
0xa9: {  	[sflag:s16] =	ssyncadd.s32 $0xFFFFC000  }
0xaa: {  	[tilespmem:s13], [sflag:$0x1] =	stream.indirect.gather [hbm4b:s4+s12], $0x80, s30, s12, $0xb8;
	[tilespmem:$0x1D000] =	vst v63  }
0xab: {  	_ = 	snop  }
0xac: {  	[spmem:s2] =	stream.indirect.scatter.add.f32 [tilespmem:s15], [sflag:$0x3], $0x80, s31, s12, $0xb8;
	[tilespmem:$0x1D000] =	vst v63  }
0xad: {  	_ =	swait.ge [sflag:s10], $0x4000  }
0xae: {  	[sflag:s10] =	ssyncset.done $0x0  }
0xaf: {  	[sflag:s10] =	ssyncadd.s32 $0xFFFFC000  }
0xb0: {  	_ =	swait.ge [sflag:s14], $0x4000  }
0xb1: {  	[sflag:s14] =	ssyncset.done $0x0  }
0xb2: {  	[sflag:s14] =	ssyncadd.s32 $0xFFFFC000  }
0xb3: {  	[tilespmem:s15], [sflag:$0x2] =	stream.indirect.gather [hbm4b:s4+s12], $0x80, s1, s12, $0xb8;
	[tilespmem:$0x1D000] =	vst v63  }
0xb4: {  	_ = 	snop  }
0xb5: {  	[spmem:s2] =	stream.indirect.scatter.add.f32 [tilespmem:s13], [sflag:$0x3], $0x80, s0, s12, $0xb8;
	[tilespmem:$0x1D000] =	vst v63  }
0xb6: {  	_ =	swait.ge [sflag:s10], $0x4000  }
0xb7: {  	[sflag:s10] =	ssyncset.done $0x0  }
0xb8: {  	[sflag:s10] =	ssyncadd.s32 $0xFFFFC000  }
0xb9: {  	_ =	swait.ge [sflag:s16], $0x4000  }
0xba: {  	[sflag:s16] =	ssyncset.done $0x0  }
0xbb: {  	[sflag:s16] =	ssyncadd.s32 $0xFFFFC000  }
0xbc: {  	[spmem:s2] =	stream.indirect.scatter.add.f32 [tilespmem:s15], [sflag:$0x3], $0x80, s5, s12, $0xb8;
	[tilespmem:$0x1D000] =	vst v63  }
0xbd: {  	s6 =	simm.s32 $0x200;
	_ =	swait.ge [sflag:s10], $0x4000  }
0xbe: {  	s8 =	simm.s32 $0x100;
	s9 =	rddreg [dreg:$0x5];
	[sflag:s10] =	ssyncset.done $0x0  }
.LBB2_2:
0xbf: {  	[sflag:s10] =	ssyncadd.s32 $0xFFFFC000;
	s9 =	sadd.s32 s8, s9  }
0xc0: {  	[tilespmem:s3], [sflag:$0x3] =	stream.linear.gather [hbm4b:s9+s3], $0x800, $0x38;
	[tilespmem:$0x1D000] =	vst v63  }
0xc1: {  	_ =	swait.ge [sflag:s10], $0x800  }
0xc2: {  	s9 =	rddreg [dreg:$0x4];
	[sflag:s10] =	ssyncset.done $0x0  }
0xc3: {  	[sflag:s10] =	ssyncadd.s32 $0xFFFFF800;
	s9 =	sadd.s32 s8, s9  }
0xc4: {  	[tilespmem:s11], [sflag:$0x3] =	stream.linear.gather [hbm4b:s9+s3], $0x800, $0x38;
	[tilespmem:$0x1D000] =	vst v63  }
0xc5: {  	_ =	swait.ge [sflag:s10], $0x800  }
0xc6: {  	[sflag:s10] =	ssyncset.done $0x0  }
0xc7: {  	[sflag:s10] =	ssyncadd.s32 $0xFFFFF800  }
0xc8: {  	[tilespmem:s13], [sflag:$0x1] =	stream.indirect.gather [hbm4b:s4+s12], $0x80, s3, s12, $0xb8;
	[tilespmem:$0x1D000] =	vst v63  }
0xc9: {  	_ =	swait.ge [sflag:s14], $0x4000  }
0xca: {  	[sflag:s14] =	ssyncset.done $0x0  }
0xcb: {  	[sflag:s14] =	ssyncadd.s32 $0xFFFFC000  }
0xcc: {  	[tilespmem:s15], [sflag:$0x2] =	stream.indirect.gather [hbm4b:s4+s12], $0x80, s12, s12, $0xb8;
	[tilespmem:$0x1D000] =	vst v63  }
0xcd: {  	_ = 	snop  }
0xce: {  	[spmem:s2] =	stream.indirect.scatter.add.f32 [tilespmem:s13], [sflag:$0x3], $0x80, s11, s12, $0xb8;
	[tilespmem:$0x1D000] =	vst v63  }
0xcf: {  	_ =	swait.ge [sflag:s10], $0x4000  }
0xd0: {  	[sflag:s10] =	ssyncset.done $0x0  }
0xd1: {  	[sflag:s10] =	ssyncadd.s32 $0xFFFFC000  }
0xd2: {  	_ =	swait.ge [sflag:s16], $0x4000  }
0xd3: {  	s7 =	smov.u32 s6;
	[sflag:s16] =	ssyncset.done $0x0  }
0xd4: {  	s8 =	smov.u32 s7;
	s7 =	rddreg [dreg:$0x6];
	[sflag:s16] =	ssyncadd.s32 $0xFFFFC000  }
0xd5: {  	[tilespmem:s13], [sflag:$0x1] =	stream.indirect.gather [hbm4b:s4+s12], $0x80, s7, s12, $0xb8;
	[tilespmem:$0x1D000] =	vst v63  }
0xd6: {  	s9 =	rddreg [dreg:$0x7]  }
0xd7: {  	[spmem:s2] =	stream.indirect.scatter.add.f32 [tilespmem:s15], [sflag:$0x3], $0x80, s9, s12, $0xb8;
	[tilespmem:$0x1D000] =	vst v63  }
0xd8: {  	_ =	swait.ge [sflag:s10], $0x4000  }
0xd9: {  	[sflag:s10] =	ssyncset.done $0x0  }
0xda: {  	[sflag:s10] =	ssyncadd.s32 $0xFFFFC000  }
0xdb: {  	_ =	swait.ge [sflag:s14], $0x4000  }
0xdc: {  	[sflag:s14] =	ssyncset.done $0x0  }
0xdd: {  	s7 =	rddreg [dreg:$0x8];
	[sflag:s14] =	ssyncadd.s32 $0xFFFFC000  }
0xde: {  	[tilespmem:s15], [sflag:$0x2] =	stream.indirect.gather [hbm4b:s4+s12], $0x80, s7, s12, $0xb8;
	[tilespmem:$0x1D000] =	vst v63  }
0xdf: {  	s9 =	rddreg [dreg:$0x9]  }
0xe0: {  	[spmem:s2] =	stream.indirect.scatter.add.f32 [tilespmem:s13], [sflag:$0x3], $0x80, s9, s12, $0xb8;
	[tilespmem:$0x1D000] =	vst v63  }
0xe1: {  	_ =	swait.ge [sflag:s10], $0x4000  }
0xe2: {  	[sflag:s10] =	ssyncset.done $0x0  }
0xe3: {  	[sflag:s10] =	ssyncadd.s32 $0xFFFFC000  }
0xe4: {  	_ =	swait.ge [sflag:s16], $0x4000  }
0xe5: {  	[sflag:s16] =	ssyncset.done $0x0  }
0xe6: {  	s7 =	rddreg [dreg:$0xa];
	[sflag:s16] =	ssyncadd.s32 $0xFFFFC000  }
0xe7: {  	[tilespmem:s13], [sflag:$0x1] =	stream.indirect.gather [hbm4b:s4+s12], $0x80, s7, s12, $0xb8;
	[tilespmem:$0x1D000] =	vst v63  }
0xe8: {  	s9 =	rddreg [dreg:$0xb]  }
0xe9: {  	[spmem:s2] =	stream.indirect.scatter.add.f32 [tilespmem:s15], [sflag:$0x3], $0x80, s9, s12, $0xb8;
	[tilespmem:$0x1D000] =	vst v63  }
0xea: {  	_ =	swait.ge [sflag:s10], $0x4000  }
0xeb: {  	[sflag:s10] =	ssyncset.done $0x0  }
0xec: {  	[sflag:s10] =	ssyncadd.s32 $0xFFFFC000  }
0xed: {  	_ =	swait.ge [sflag:s14], $0x4000  }
0xee: {  	[sflag:s14] =	ssyncset.done $0x0  }
0xef: {  	s7 =	rddreg [dreg:$0xc];
	[sflag:s14] =	ssyncadd.s32 $0xFFFFC000  }
0xf0: {  	[tilespmem:s15], [sflag:$0x2] =	stream.indirect.gather [hbm4b:s4+s12], $0x80, s7, s12, $0xb8;
	[tilespmem:$0x1D000] =	vst v63  }
0xf1: {  	s9 =	rddreg [dreg:$0xd]  }
0xf2: {  	[spmem:s2] =	stream.indirect.scatter.add.f32 [tilespmem:s13], [sflag:$0x3], $0x80, s9, s12, $0xb8;
	[tilespmem:$0x1D000] =	vst v63  }
0xf3: {  	_ =	swait.ge [sflag:s10], $0x4000  }
0xf4: {  	[sflag:s10] =	ssyncset.done $0x0  }
0xf5: {  	[sflag:s10] =	ssyncadd.s32 $0xFFFFC000  }
0xf6: {  	_ =	swait.ge [sflag:s16], $0x4000  }
0xf7: {  	[sflag:s16] =	ssyncset.done $0x0  }
0xf8: {  	s7 =	rddreg [dreg:$0xe];
	[sflag:s16] =	ssyncadd.s32 $0xFFFFC000  }
0xf9: {  	[tilespmem:s13], [sflag:$0x1] =	stream.indirect.gather [hbm4b:s4+s12], $0x80, s7, s12, $0xb8;
	[tilespmem:$0x1D000] =	vst v63  }
0xfa: {  	s9 =	rddreg [dreg:$0xf]  }
0xfb: {  	[spmem:s2] =	stream.indirect.scatter.add.f32 [tilespmem:s15], [sflag:$0x3], $0x80, s9, s12, $0xb8;
	[tilespmem:$0x1D000] =	vst v63  }
0xfc: {  	_ =	swait.ge [sflag:s10], $0x4000  }
0xfd: {  	[sflag:s10] =	ssyncset.done $0x0  }
0xfe: {  	[sflag:s10] =	ssyncadd.s32 $0xFFFFC000  }
0xff: {  	_ =	swait.ge [sflag:s14], $0x4000  }
0x100: {  	[sflag:s14] =	ssyncset.done $0x0  }
0x101: {  	s7 =	rddreg [dreg:$0x10];
	[sflag:s14] =	ssyncadd.s32 $0xFFFFC000  }
0x102: {  	[tilespmem:s15], [sflag:$0x2] =	stream.indirect.gather [hbm4b:s4+s12], $0x80, s7, s12, $0xb8;
	[tilespmem:$0x1D000] =	vst v63  }
0x103: {  	s9 =	rddreg [dreg:$0x11]  }
0x104: {  	[spmem:s2] =	stream.indirect.scatter.add.f32 [tilespmem:s13], [sflag:$0x3], $0x80, s9, s12, $0xb8;
	[tilespmem:$0x1D000] =	vst v63  }
0x105: {  	_ =	swait.ge [sflag:s10], $0x4000  }
0x106: {  	[sflag:s10] =	ssyncset.done $0x0  }
0x107: {  	[sflag:s10] =	ssyncadd.s32 $0xFFFFC000  }
0x108: {  	_ =	swait.ge [sflag:s16], $0x4000  }
0x109: {  	[sflag:s16] =	ssyncset.done $0x0  }
0x10a: {  	[sflag:s16] =	ssyncadd.s32 $0xFFFFC000  }
0x10b: {  	[tilespmem:s13], [sflag:$0x1] =	stream.indirect.gather [hbm4b:s4+s12], $0x80, s17, s12, $0xb8;
	[tilespmem:$0x1D000] =	vst v63  }
0x10c: {  	_ = 	snop  }
0x10d: {  	[spmem:s2] =	stream.indirect.scatter.add.f32 [tilespmem:s15], [sflag:$0x3], $0x80, s18, s12, $0xb8;
	[tilespmem:$0x1D000] =	vst v63  }
0x10e: {  	_ =	swait.ge [sflag:s10], $0x4000  }
0x10f: {  	[sflag:s10] =	ssyncset.done $0x0  }
0x110: {  	[sflag:s10] =	ssyncadd.s32 $0xFFFFC000  }
0x111: {  	_ =	swait.ge [sflag:s14], $0x4000  }
0x112: {  	[sflag:s14] =	ssyncset.done $0x0  }
0x113: {  	[sflag:s14] =	ssyncadd.s32 $0xFFFFC000  }
0x114: {  	[tilespmem:s15], [sflag:$0x2] =	stream.indirect.gather [hbm4b:s4+s12], $0x80, s19, s12, $0xb8;
	[tilespmem:$0x1D000] =	vst v63  }
0x115: {  	_ = 	snop  }
0x116: {  	[spmem:s2] =	stream.indirect.scatter.add.f32 [tilespmem:s13], [sflag:$0x3], $0x80, s20, s12, $0xb8;
	[tilespmem:$0x1D000] =	vst v63  }
0x117: {  	_ =	swait.ge [sflag:s10], $0x4000  }
0x118: {  	[sflag:s10] =	ssyncset.done $0x0  }
0x119: {  	[sflag:s10] =	ssyncadd.s32 $0xFFFFC000  }
0x11a: {  	_ =	swait.ge [sflag:s16], $0x4000  }
0x11b: {  	[sflag:s16] =	ssyncset.done $0x0  }
0x11c: {  	[sflag:s16] =	ssyncadd.s32 $0xFFFFC000  }
0x11d: {  	[tilespmem:s13], [sflag:$0x1] =	stream.indirect.gather [hbm4b:s4+s12], $0x80, s21, s12, $0xb8;
	[tilespmem:$0x1D000] =	vst v63  }
0x11e: {  	_ = 	snop  }
0x11f: {  	[spmem:s2] =	stream.indirect.scatter.add.f32 [tilespmem:s15], [sflag:$0x3], $0x80, s22, s12, $0xb8;
	[tilespmem:$0x1D000] =	vst v63  }
0x120: {  	_ =	swait.ge [sflag:s10], $0x4000  }
0x121: {  	[sflag:s10] =	ssyncset.done $0x0  }
0x122: {  	[sflag:s10] =	ssyncadd.s32 $0xFFFFC000  }
0x123: {  	_ =	swait.ge [sflag:s14], $0x4000  }
0x124: {  	[sflag:s14] =	ssyncset.done $0x0  }
0x125: {  	[sflag:s14] =	ssyncadd.s32 $0xFFFFC000  }
0x126: {  	[tilespmem:s15], [sflag:$0x2] =	stream.indirect.gather [hbm4b:s4+s12], $0x80, s23, s12, $0xb8;
	[tilespmem:$0x1D000] =	vst v63  }
0x127: {  	_ = 	snop  }
0x128: {  	[spmem:s2] =	stream.indirect.scatter.add.f32 [tilespmem:s13], [sflag:$0x3], $0x80, s24, s12, $0xb8;
	[tilespmem:$0x1D000] =	vst v63  }
0x129: {  	_ =	swait.ge [sflag:s10], $0x4000  }
0x12a: {  	[sflag:s10] =	ssyncset.done $0x0  }
0x12b: {  	[sflag:s10] =	ssyncadd.s32 $0xFFFFC000  }
0x12c: {  	_ =	swait.ge [sflag:s16], $0x4000  }
0x12d: {  	[sflag:s16] =	ssyncset.done $0x0  }
0x12e: {  	[sflag:s16] =	ssyncadd.s32 $0xFFFFC000  }
0x12f: {  	[tilespmem:s13], [sflag:$0x1] =	stream.indirect.gather [hbm4b:s4+s12], $0x80, s25, s12, $0xb8;
	[tilespmem:$0x1D000] =	vst v63  }
0x130: {  	_ = 	snop  }
0x131: {  	[spmem:s2] =	stream.indirect.scatter.add.f32 [tilespmem:s15], [sflag:$0x3], $0x80, s26, s12, $0xb8;
	[tilespmem:$0x1D000] =	vst v63  }
0x132: {  	_ =	swait.ge [sflag:s10], $0x4000  }
0x133: {  	[sflag:s10] =	ssyncset.done $0x0  }
0x134: {  	[sflag:s10] =	ssyncadd.s32 $0xFFFFC000  }
0x135: {  	_ =	swait.ge [sflag:s14], $0x4000  }
0x136: {  	[sflag:s14] =	ssyncset.done $0x0  }
0x137: {  	[sflag:s14] =	ssyncadd.s32 $0xFFFFC000  }
0x138: {  	[tilespmem:s15], [sflag:$0x2] =	stream.indirect.gather [hbm4b:s4+s12], $0x80, s28, s12, $0xb8;
	[tilespmem:$0x1D000] =	vst v63  }
0x139: {  	_ = 	snop  }
0x13a: {  	[spmem:s2] =	stream.indirect.scatter.add.f32 [tilespmem:s13], [sflag:$0x3], $0x80, s29, s12, $0xb8;
	[tilespmem:$0x1D000] =	vst v63  }
0x13b: {  	_ =	swait.ge [sflag:s10], $0x4000  }
0x13c: {  	[sflag:s10] =	ssyncset.done $0x0  }
0x13d: {  	[sflag:s10] =	ssyncadd.s32 $0xFFFFC000  }
0x13e: {  	_ =	swait.ge [sflag:s16], $0x4000  }
0x13f: {  	[sflag:s16] =	ssyncset.done $0x0  }
0x140: {  	[sflag:s16] =	ssyncadd.s32 $0xFFFFC000  }
0x141: {  	[tilespmem:s13], [sflag:$0x1] =	stream.indirect.gather [hbm4b:s4+s12], $0x80, s30, s12, $0xb8;
	[tilespmem:$0x1D000] =	vst v63  }
0x142: {  	_ = 	snop  }
0x143: {  	[spmem:s2] =	stream.indirect.scatter.add.f32 [tilespmem:s15], [sflag:$0x3], $0x80, s31, s12, $0xb8;
	[tilespmem:$0x1D000] =	vst v63  }
0x144: {  	_ =	swait.ge [sflag:s10], $0x4000  }
0x145: {  	[sflag:s10] =	ssyncset.done $0x0  }
0x146: {  	[sflag:s10] =	ssyncadd.s32 $0xFFFFC000  }
0x147: {  	_ =	swait.ge [sflag:s14], $0x4000  }
0x148: {  	[sflag:s14] =	ssyncset.done $0x0  }
0x149: {  	[sflag:s14] =	ssyncadd.s32 $0xFFFFC000  }
0x14a: {  	[tilespmem:s15], [sflag:$0x2] =	stream.indirect.gather [hbm4b:s4+s12], $0x80, s1, s12, $0xb8;
	[tilespmem:$0x1D000] =	vst v63  }
0x14b: {  	_ = 	snop  }
0x14c: {  	[spmem:s2] =	stream.indirect.scatter.add.f32 [tilespmem:s13], [sflag:$0x3], $0x80, s0, s12, $0xb8;
	[tilespmem:$0x1D000] =	vst v63  }
0x14d: {  	_ =	swait.ge [sflag:s10], $0x4000  }
0x14e: {  	[sflag:s10] =	ssyncset.done $0x0  }
0x14f: {  	[sflag:s10] =	ssyncadd.s32 $0xFFFFC000  }
0x150: {  	p0 =	sne.s32 s6, $0x400;
	_ =	swait.ge [sflag:s16], $0x4000  }
.Ltmp0:
0x151: {  	[sflag:s16] =	ssyncset.done $0x0;
	(pc) =	sbr.rel @p0 .LBB2_2-.Ltmp0, $4  }
0x152: {  	[sflag:s16] =	ssyncadd.s32 $0xFFFFC000  }
0x153: {  	[spmem:s2] =	stream.indirect.scatter.add.f32 [tilespmem:s15], [sflag:$0x3], $0x80, s5, s12, $0xb8;
	[tilespmem:$0x1D000] =	vst v63  }
0x154: {  	_ =	swait.ge [sflag:s10], $0x4000  }
0x155: {  	s6 =	sadd.s32 $0x100, s6;
	s9 =	rddreg [dreg:$0x5];
	[sflag:s10] =	ssyncset.done $0x0  }
0x156: {  	[sflag:s10] =	ssyncadd.s32 $0xFFFFC000;
	s6 =	sadd.s32 s8, s9  }
0x157: {  	[tilespmem:s3], [sflag:$0x3] =	stream.linear.gather [hbm4b:s6+s3], $0x800, $0x38;
	[tilespmem:$0x1D000] =	vst v63  }
0x158: {  	_ =	swait.ge [sflag:s10], $0x800  }
0x159: {  	s7 =	rddreg [dreg:$0x4];
	[sflag:s10] =	ssyncset.done $0x0  }
0x15a: {  	[sflag:s10] =	ssyncadd.s32 $0xFFFFF800;
	s6 =	sadd.s32 s8, s7  }
0x15b: {  	[tilespmem:s11], [sflag:$0x3] =	stream.linear.gather [hbm4b:s6+s3], $0x800, $0x38;
	[tilespmem:$0x1D000] =	vst v63  }
0x15c: {  	_ =	swait.ge [sflag:s10], $0x800  }
0x15d: {  	[sflag:s10] =	ssyncset.done $0x0  }
0x15e: {  	[sflag:s10] =	ssyncadd.s32 $0xFFFFF800  }
0x15f: {  	[tilespmem:s13], [sflag:$0x1] =	stream.indirect.gather [hbm4b:s4+s12], $0x80, s3, s12, $0xb8;
	[tilespmem:$0x1D000] =	vst v63  }
0x160: {  	_ =	swait.ge [sflag:s14], $0x4000  }
0x161: {  	[sflag:s14] =	ssyncset.done $0x0  }
0x162: {  	[sflag:s14] =	ssyncadd.s32 $0xFFFFC000  }
0x163: {  	[tilespmem:s15], [sflag:$0x2] =	stream.indirect.gather [hbm4b:s4+s12], $0x80, s12, s12, $0xb8;
	[tilespmem:$0x1D000] =	vst v63  }
0x164: {  	_ = 	snop  }
0x165: {  	[spmem:s2] =	stream.indirect.scatter.add.f32 [tilespmem:s13], [sflag:$0x3], $0x80, s11, s12, $0xb8;
	[tilespmem:$0x1D000] =	vst v63  }
0x166: {  	_ =	swait.ge [sflag:s10], $0x4000  }
0x167: {  	[sflag:s10] =	ssyncset.done $0x0  }
0x168: {  	[sflag:s10] =	ssyncadd.s32 $0xFFFFC000  }
0x169: {  	_ =	swait.ge [sflag:s16], $0x4000  }
0x16a: {  	[sflag:s16] =	ssyncset.done $0x0  }
0x16b: {  	s9 =	rddreg [dreg:$0x6];
	[sflag:s16] =	ssyncadd.s32 $0xFFFFC000  }
0x16c: {  	[tilespmem:s13], [sflag:$0x1] =	stream.indirect.gather [hbm4b:s4+s12], $0x80, s9, s12, $0xb8;
	[tilespmem:$0x1D000] =	vst v63  }
0x16d: {  	s7 =	rddreg [dreg:$0x7]  }
0x16e: {  	[spmem:s2] =	stream.indirect.scatter.add.f32 [tilespmem:s15], [sflag:$0x3], $0x80, s7, s12, $0xb8;
	[tilespmem:$0x1D000] =	vst v63  }
0x16f: {  	_ =	swait.ge [sflag:s10], $0x4000  }
0x170: {  	[sflag:s10] =	ssyncset.done $0x0  }
0x171: {  	[sflag:s10] =	ssyncadd.s32 $0xFFFFC000  }
0x172: {  	_ =	swait.ge [sflag:s14], $0x4000  }
0x173: {  	[sflag:s14] =	ssyncset.done $0x0  }
0x174: {  	s8 =	rddreg [dreg:$0x8];
	[sflag:s14] =	ssyncadd.s32 $0xFFFFC000  }
0x175: {  	[tilespmem:s15], [sflag:$0x2] =	stream.indirect.gather [hbm4b:s4+s12], $0x80, s8, s12, $0xb8;
	[tilespmem:$0x1D000] =	vst v63  }
0x176: {  	s9 =	rddreg [dreg:$0x9]  }
0x177: {  	[spmem:s2] =	stream.indirect.scatter.add.f32 [tilespmem:s13], [sflag:$0x3], $0x80, s9, s12, $0xb8;
	[tilespmem:$0x1D000] =	vst v63  }
0x178: {  	_ =	swait.ge [sflag:s10], $0x4000  }
0x179: {  	[sflag:s10] =	ssyncset.done $0x0  }
0x17a: {  	[sflag:s10] =	ssyncadd.s32 $0xFFFFC000  }
0x17b: {  	_ =	swait.ge [sflag:s16], $0x4000  }
0x17c: {  	[sflag:s16] =	ssyncset.done $0x0  }
0x17d: {  	s8 =	rddreg [dreg:$0xa];
	[sflag:s16] =	ssyncadd.s32 $0xFFFFC000  }
0x17e: {  	[tilespmem:s13], [sflag:$0x1] =	stream.indirect.gather [hbm4b:s4+s12], $0x80, s8, s12, $0xb8;
	[tilespmem:$0x1D000] =	vst v63  }
0x17f: {  	s9 =	rddreg [dreg:$0xb]  }
0x180: {  	[spmem:s2] =	stream.indirect.scatter.add.f32 [tilespmem:s15], [sflag:$0x3], $0x80, s9, s12, $0xb8;
	[tilespmem:$0x1D000] =	vst v63  }
0x181: {  	_ =	swait.ge [sflag:s10], $0x4000  }
0x182: {  	[sflag:s10] =	ssyncset.done $0x0  }
0x183: {  	[sflag:s10] =	ssyncadd.s32 $0xFFFFC000  }
0x184: {  	_ =	swait.ge [sflag:s14], $0x4000  }
0x185: {  	[sflag:s14] =	ssyncset.done $0x0  }
0x186: {  	s8 =	rddreg [dreg:$0xc];
	[sflag:s14] =	ssyncadd.s32 $0xFFFFC000  }
0x187: {  	[tilespmem:s15], [sflag:$0x2] =	stream.indirect.gather [hbm4b:s4+s12], $0x80, s8, s12, $0xb8;
	[tilespmem:$0x1D000] =	vst v63  }
0x188: {  	s9 =	rddreg [dreg:$0xd]  }
0x189: {  	[spmem:s2] =	stream.indirect.scatter.add.f32 [tilespmem:s13], [sflag:$0x3], $0x80, s9, s12, $0xb8;
	[tilespmem:$0x1D000] =	vst v63  }
0x18a: {  	_ =	swait.ge [sflag:s10], $0x4000  }
0x18b: {  	[sflag:s10] =	ssyncset.done $0x0  }
0x18c: {  	[sflag:s10] =	ssyncadd.s32 $0xFFFFC000  }
0x18d: {  	_ =	swait.ge [sflag:s16], $0x4000  }
0x18e: {  	[sflag:s16] =	ssyncset.done $0x0  }
0x18f: {  	s8 =	rddreg [dreg:$0xe];
	[sflag:s16] =	ssyncadd.s32 $0xFFFFC000  }
0x190: {  	[tilespmem:s13], [sflag:$0x1] =	stream.indirect.gather [hbm4b:s4+s12], $0x80, s8, s12, $0xb8;
	[tilespmem:$0x1D000] =	vst v63  }
0x191: {  	s9 =	rddreg [dreg:$0xf]  }
0x192: {  	[spmem:s2] =	stream.indirect.scatter.add.f32 [tilespmem:s15], [sflag:$0x3], $0x80, s9, s12, $0xb8;
	[tilespmem:$0x1D000] =	vst v63  }
0x193: {  	_ =	swait.ge [sflag:s10], $0x4000  }
0x194: {  	[sflag:s10] =	ssyncset.done $0x0  }
0x195: {  	[sflag:s10] =	ssyncadd.s32 $0xFFFFC000  }
0x196: {  	_ =	swait.ge [sflag:s14], $0x4000  }
0x197: {  	[sflag:s14] =	ssyncset.done $0x0  }
0x198: {  	s7 =	rddreg [dreg:$0x10];
	[sflag:s14] =	ssyncadd.s32 $0xFFFFC000  }
0x199: {  	[tilespmem:s15], [sflag:$0x2] =	stream.indirect.gather [hbm4b:s4+s12], $0x80, s7, s12, $0xb8;
	[tilespmem:$0x1D000] =	vst v63  }
0x19a: {  	s8 =	rddreg [dreg:$0x11]  }
0x19b: {  	[spmem:s2] =	stream.indirect.scatter.add.f32 [tilespmem:s13], [sflag:$0x3], $0x80, s8, s12, $0xb8;
	[tilespmem:$0x1D000] =	vst v63  }
0x19c: {  	_ =	swait.ge [sflag:s10], $0x4000  }
0x19d: {  	[sflag:s10] =	ssyncset.done $0x0  }
0x19e: {  	[sflag:s10] =	ssyncadd.s32 $0xFFFFC000  }
0x19f: {  	_ =	swait.ge [sflag:s16], $0x4000  }
0x1a0: {  	[sflag:s16] =	ssyncset.done $0x0  }
0x1a1: {  	[sflag:s16] =	ssyncadd.s32 $0xFFFFC000  }
0x1a2: {  	[tilespmem:s13], [sflag:$0x1] =	stream.indirect.gather [hbm4b:s4+s12], $0x80, s17, s12, $0xb8;
	[tilespmem:$0x1D000] =	vst v63  }
0x1a3: {  	_ = 	snop  }
0x1a4: {  	[spmem:s2] =	stream.indirect.scatter.add.f32 [tilespmem:s15], [sflag:$0x3], $0x80, s18, s12, $0xb8;
	[tilespmem:$0x1D000] =	vst v63  }
0x1a5: {  	_ =	swait.ge [sflag:s10], $0x4000  }
0x1a6: {  	[sflag:s10] =	ssyncset.done $0x0  }
0x1a7: {  	[sflag:s10] =	ssyncadd.s32 $0xFFFFC000  }
0x1a8: {  	_ =	swait.ge [sflag:s14], $0x4000  }
0x1a9: {  	[sflag:s14] =	ssyncset.done $0x0  }
0x1aa: {  	[sflag:s14] =	ssyncadd.s32 $0xFFFFC000  }
0x1ab: {  	[tilespmem:s15], [sflag:$0x2] =	stream.indirect.gather [hbm4b:s4+s12], $0x80, s19, s12, $0xb8;
	[tilespmem:$0x1D000] =	vst v63  }
0x1ac: {  	_ = 	snop  }
0x1ad: {  	[spmem:s2] =	stream.indirect.scatter.add.f32 [tilespmem:s13], [sflag:$0x3], $0x80, s20, s12, $0xb8;
	[tilespmem:$0x1D000] =	vst v63  }
0x1ae: {  	_ =	swait.ge [sflag:s10], $0x4000  }
0x1af: {  	[sflag:s10] =	ssyncset.done $0x0  }
0x1b0: {  	[sflag:s10] =	ssyncadd.s32 $0xFFFFC000  }
0x1b1: {  	_ =	swait.ge [sflag:s16], $0x4000  }
0x1b2: {  	[sflag:s16] =	ssyncset.done $0x0  }
0x1b3: {  	[sflag:s16] =	ssyncadd.s32 $0xFFFFC000  }
0x1b4: {  	[tilespmem:s13], [sflag:$0x1] =	stream.indirect.gather [hbm4b:s4+s12], $0x80, s21, s12, $0xb8;
	[tilespmem:$0x1D000] =	vst v63  }
0x1b5: {  	_ = 	snop  }
0x1b6: {  	[spmem:s2] =	stream.indirect.scatter.add.f32 [tilespmem:s15], [sflag:$0x3], $0x80, s22, s12, $0xb8;
	[tilespmem:$0x1D000] =	vst v63  }
0x1b7: {  	_ =	swait.ge [sflag:s10], $0x4000  }
0x1b8: {  	[sflag:s10] =	ssyncset.done $0x0  }
0x1b9: {  	[sflag:s10] =	ssyncadd.s32 $0xFFFFC000  }
0x1ba: {  	_ =	swait.ge [sflag:s14], $0x4000  }
0x1bb: {  	[sflag:s14] =	ssyncset.done $0x0  }
0x1bc: {  	[sflag:s14] =	ssyncadd.s32 $0xFFFFC000  }
0x1bd: {  	[tilespmem:s15], [sflag:$0x2] =	stream.indirect.gather [hbm4b:s4+s12], $0x80, s23, s12, $0xb8;
	[tilespmem:$0x1D000] =	vst v63  }
0x1be: {  	_ = 	snop  }
0x1bf: {  	[spmem:s2] =	stream.indirect.scatter.add.f32 [tilespmem:s13], [sflag:$0x3], $0x80, s24, s12, $0xb8;
	[tilespmem:$0x1D000] =	vst v63  }
0x1c0: {  	_ =	swait.ge [sflag:s10], $0x4000  }
0x1c1: {  	[sflag:s10] =	ssyncset.done $0x0  }
0x1c2: {  	[sflag:s10] =	ssyncadd.s32 $0xFFFFC000  }
0x1c3: {  	_ =	swait.ge [sflag:s16], $0x4000  }
0x1c4: {  	[sflag:s16] =	ssyncset.done $0x0  }
0x1c5: {  	[sflag:s16] =	ssyncadd.s32 $0xFFFFC000  }
0x1c6: {  	[tilespmem:s13], [sflag:$0x1] =	stream.indirect.gather [hbm4b:s4+s12], $0x80, s25, s12, $0xb8;
	[tilespmem:$0x1D000] =	vst v63  }
0x1c7: {  	_ = 	snop  }
0x1c8: {  	[spmem:s2] =	stream.indirect.scatter.add.f32 [tilespmem:s15], [sflag:$0x3], $0x80, s26, s12, $0xb8;
	[tilespmem:$0x1D000] =	vst v63  }
0x1c9: {  	_ =	swait.ge [sflag:s10], $0x4000  }
0x1ca: {  	[sflag:s10] =	ssyncset.done $0x0  }
0x1cb: {  	[sflag:s10] =	ssyncadd.s32 $0xFFFFC000  }
0x1cc: {  	_ =	swait.ge [sflag:s14], $0x4000  }
0x1cd: {  	[sflag:s14] =	ssyncset.done $0x0  }
0x1ce: {  	[sflag:s14] =	ssyncadd.s32 $0xFFFFC000  }
0x1cf: {  	[tilespmem:s15], [sflag:$0x2] =	stream.indirect.gather [hbm4b:s4+s12], $0x80, s28, s12, $0xb8;
	[tilespmem:$0x1D000] =	vst v63  }
0x1d0: {  	_ = 	snop  }
0x1d1: {  	[spmem:s2] =	stream.indirect.scatter.add.f32 [tilespmem:s13], [sflag:$0x3], $0x80, s29, s12, $0xb8;
	[tilespmem:$0x1D000] =	vst v63  }
0x1d2: {  	_ =	swait.ge [sflag:s10], $0x4000  }
0x1d3: {  	[sflag:s10] =	ssyncset.done $0x0  }
0x1d4: {  	[sflag:s10] =	ssyncadd.s32 $0xFFFFC000  }
0x1d5: {  	_ =	swait.ge [sflag:s16], $0x4000  }
0x1d6: {  	[sflag:s16] =	ssyncset.done $0x0  }
0x1d7: {  	[sflag:s16] =	ssyncadd.s32 $0xFFFFC000  }
0x1d8: {  	[tilespmem:s13], [sflag:$0x1] =	stream.indirect.gather [hbm4b:s4+s12], $0x80, s30, s12, $0xb8;
	[tilespmem:$0x1D000] =	vst v63  }
0x1d9: {  	_ = 	snop  }
0x1da: {  	[spmem:s2] =	stream.indirect.scatter.add.f32 [tilespmem:s15], [sflag:$0x3], $0x80, s31, s12, $0xb8;
	[tilespmem:$0x1D000] =	vst v63  }
0x1db: {  	_ =	swait.ge [sflag:s10], $0x4000  }
0x1dc: {  	[sflag:s10] =	ssyncset.done $0x0  }
0x1dd: {  	[sflag:s10] =	ssyncadd.s32 $0xFFFFC000  }
0x1de: {  	_ =	swait.ge [sflag:s14], $0x4000  }
0x1df: {  	[sflag:s14] =	ssyncset.done $0x0  }
0x1e0: {  	[sflag:s14] =	ssyncadd.s32 $0xFFFFC000  }
0x1e1: {  	[tilespmem:s15], [sflag:$0x2] =	stream.indirect.gather [hbm4b:s4+s12], $0x80, s1, s12, $0xb8;
	[tilespmem:$0x1D000] =	vst v63  }
0x1e2: {  	_ = 	snop  }
0x1e3: {  	[spmem:s2] =	stream.indirect.scatter.add.f32 [tilespmem:s13], [sflag:$0x3], $0x80, s0, s12, $0xb8;
	[tilespmem:$0x1D000] =	vst v63  }
0x1e4: {  	_ =	swait.ge [sflag:s10], $0x4000  }
0x1e5: {  	[sflag:s10] =	ssyncset.done $0x0  }
0x1e6: {  	[sflag:s10] =	ssyncadd.s32 $0xFFFFC000  }
0x1e7: {  	_ =	swait.ge [sflag:s16], $0x4000  }
0x1e8: {  	[sflag:s16] =	ssyncset.done $0x0  }
0x1e9: {  	[sflag:s16] =	ssyncadd.s32 $0xFFFFC000  }
0x1ea: {  	[spmem:s2] =	stream.indirect.scatter.add.f32 [tilespmem:s15], [sflag:$0x3], $0x80, s5, s12, $0xb8;
	[tilespmem:$0x1D000] =	vst v63  }
0x1eb: {  	_ =	swait.ge [sflag:s10], $0x4000  }
0x1ec: {  	[sflag:s10] =	ssyncset.done $0x0  }
0x1ed: {  	[sflag:s10] =	ssyncadd.s32 $0xFFFFC000  }
0x1ee: {  	[bflag:$0x0] =	sbarrier.arrive $0xFFFF  }
0x1ef: {  	s7 =	rddreg [dreg:$0x13]  }
0x1f0: {  	s9 =	rddreg [dreg:$0x14]  }
0x1f1: {  	s8 =	rddreg [dreg:$0x16]  }
0x1f2: {  	[hbm:s9], [sflag:s7] =	dma.local [spmem:s8], $0x2800  }
0x1f3: {  	_ =	swait.ge [sflag:s10], $0x2800  }
0x1f4: {  	s6 =	rddreg [dreg:$0x17]  }
0x1f5: {  	s9 =	sadd.s32 $0x1, s6;
	s6 =	rddreg [dreg:$0x15]  }
0x1f6: {  	p0 =	sne.s32 s9, s6  }
.Ltmp1:
0x1f7: {  	_ = 	snop;
	(pc) =	sbr.rel @p0 .LBB2_1-.Ltmp1, $3  }
0x1f8: {  	_ =	sdelay $0x1  }
0x1f9: {  	[sflag:s10] =	ssyncset.done $0x0  }
0x1fa: {  	[sflag:s10] =	ssyncadd.s32 $0xFFFFD800  }
0x1fb: {  	_ =	sfence.sel $0x180000  }
0x1fc: {  	[bflag:$0x0] =	sbarrier.arrive $0xFFFF  }
0x1fd: {  	_ =	strace $0x9000004A  }
0x1fe: {  	s0 =	stileid.u32;
	[bflag:$0x2] =	sbarrier.arrive $0xFFFF  }
0x1ff: {  	p0 =	sne.s32 s0, $0x0;
	s0 =	rddreg [dreg:$0x3]  }
0x200: {  	s0 =	sadd.s32 @!p0 $0x100000, s0  }
0x201: {  	[sflag:s0] =	ssyncadd.tile.s32 @!p0 $0x1;
	_ =	shalt  }
.Lfunc_end2:
_tile_overlayer_lowered:
.L_overlay_start_2:
0x202: {  	(tag) =	ssettag $0x2  }
0x203: {  	s0 =	rddreg [dreg:$0x0];
	s2 =	stileid.u32  }
0x204: {  	s1 =	rddreg [dreg:$0x1];
	p0 =	sne.s32 s2, $0x0  }
0x205: {  	s3 =	rddreg [dreg:$0x2];
	[bflag:$0x3] =	sbarrier.arrive $0xFFFF;
	s2 =	simm.s32 @!p0 $0x1C03  }
0x206: {  	[timem:s3], [sflag:s2] =	dma.local @!p0 [hbm:s0], s1  }
0x207: {  	s0 =	simm.s32 @!p0 $0x3  }
0x208: {  	_ =	swait.ge @!p0 [sflag:s0], s1  }
0x209: {  	s1 =	ssub.s32 @!p0 $0x0, s1;
	[sflag:s0] =	ssyncset.done @!p0 $0x0  }
0x20a: {  	[sflag:s0] =	ssyncadd.s32 @!p0 s1  }
0x20b: {  	[bflag:$0x3] =	sbarrier.arrive $0xFFFF  }
0x20c: {  	_ =	shalt  }

// kernel: kernel.14.cloned.1.call-start
scs
__scs_entry_jumppad:
0x0: {  	(pc) =	sbr.rel $0x88, $3  }
0x1: {  	(tag) =	ssettag $0x0;
	lr =	simm.s32 $0x1  }
0x2: {  	[smem:$0x3F9B] =	sst lr;
	_ =	strace $0xD0000000  }
0x3: {  	_ = 	snop  }
0x4: {  	_ = 	snop  }
0x5: {  	_ = 	snop  }
0x6: {  	_ = 	snop  }
0x7: {  	_ = 	snop  }
__scs_overlays_trampoline_lowered:
0x8: {  	[smem:$0x3FAA] =	sst s0  }
0x9: {  	[smem:$0x3FAB] =	sst s1  }
0xa: {  	[smem:$0x3FAC] =	sst s2  }
0xb: {  	[smem:$0x3FAD] =	sst s3  }
0xc: {  	[smem:$0x3FAE] =	sst s4  }
0xd: {  	[smem:$0x3FAF] =	sst s5  }
0xe: {  	[smem:$0x3FB0] =	sst s6  }
0xf: {  	[smem:$0x3FB1] =	sst s7  }
0x10: {  	[smem:$0x3FB2] =	sst s8  }
0x11: {  	[smem:$0x3FB3] =	sst s9;
	s0 =	simm.s32 @!p0 $0x0  }
0x12: {  	s1 =	sld [smem:$0x3F99];
	s0 =	simm.s32 @p0 $0x1  }
0x13: {  	[smem:$0x3FB4] =	sst s0;
	s0 =	simm.s32 @!p1 $0x0  }
0x14: {  	s2 =	sld [smem:$0x3F98];
	s0 =	simm.s32 @p1 $0x1  }
0x15: {  	[smem:$0x3FB5] =	sst s0;
	s0 =	simm.s32 @!p2 $0x0  }
0x16: {  	s3 =	sld [smem:$0x3FDB];
	s0 =	simm.s32 @p2 $0x1  }
0x17: {  	s4 =	simm.s32 $0x1BF5;
	[smem:$0x3FB7] =	sst s0  }
0x18: {  	s0 =	sld [smem:$0x3F9A];
	_ =	swait.ge [sflag:s4], $0x0  }
0x19: {  	s7 =	sld [smem:$0x3F9B]  }
0x1a: {  	s8 =	sadd.s32 $0xFFFFE003, lr  }
0x1b: {  	s9 =	sadd.s32 $0xFFFFFEF7, lr;
	s5 =	simm.s32 $0xFFFFFFFF;
	p2 =	slt.u32 s8, $0xFFFFF086  }
0x1c: {  	p1 =	slt.u32 s9, $0xF7A;
	s5 =	simm.s32 @!p2 $0x0  }
0x1d: {  	s5 =	simm.s32 @p1 $0x1;
	p0 =	seq.s32 s7, s2  }
0x1e: {  	s7 =	smul.u32 @!p0 $0xF7A, s2;
	p2 =	seq.s32 @!p0 s5, $0x0  }
0x1f: {  	s9 =	smul.u32 $0xF7A, s1;
	s8 =	simm.s32 @!p0 $0x1BF5;
	p2 =	por !p2, p0  }
0x20: {  	[sflag:s8] =	ssyncset.s32 @!p0 $0xFFFFF086;
	s6 =	sadd.s32 @!p0 s3, s7;
	s7 =	simm.s32 @!p0 $0x108  }
0x21: {  	s3 =	sadd.s32 s3, s9;
	s6 =	sadd.s32 @!p0 $0x88, s6;
	s7 =	simm.s32 @p2 $0x1082  }
0x22: {  	[simem:s7], [sflag:s8] =	dma.local @!p0 [hbm:s6], $0xF7A  }
0x23: {  	s9 =	sor.u32 $0xD0000000, s2;
	s6 =	simm.s32 $0x108;
	_ =	swait.ge @!p0 [sflag:s8], $0x0  }
0x24: {  	s3 =	sadd.s32 $0x88, s3;
	s6 =	simm.s32 @!p1 $0x1082;
	[sflag:s4] =	ssyncset.s32 $0xFFFFF086  }
0x25: {  	[simem:s6], [sflag:s4] =	dma.local [hbm:s3], $0xF7A  }
0x26: {  	[smem:$0x3F9B] =	sst s1;
	(tag) =	ssettag s2;
	_ =	strace s9  }
0x27: {  	s1 =	sld [smem:$0x3FAB]  }
0x28: {  	s2 =	sld [smem:$0x3FAC]  }
0x29: {  	s4 =	sld [smem:$0x3FAE]  }
0x2a: {  	p0 =	seq.s32 s5, $0x0;
	s5 =	sld [smem:$0x3FAF]  }
0x2b: {  	s6 =	sld [smem:$0x3FB0]  }
0x2c: {  	s7 =	sld [smem:$0x3FB1]  }
0x2d: {  	s3 =	simm.s32 $0x108;
	s8 =	sld [smem:$0x3FB2]  }
0x2e: {  	s3 =	simm.s32 @!p0 $0x1082;
	s9 =	sld [smem:$0x3FB3]  }
0x2f: {  	lr =	sadd.s32 s0, s3;
	s0 =	sld [smem:$0x3FAA]  }
0x30: {  	s3 =	sld [smem:$0x3FAD]  }
0x31: {  	[smem:$0x3FB6] =	sst s10  }
0x32: {  	s10 =	sld [smem:$0x3FB4];
	_ =	sdelay $0x3  }
0x33: {  	p0 =	seq.s32 s10, $0x1;
	s10 =	sld [smem:$0x3FB6];
	_ =	sdelay $0x3  }
0x34: {  	[smem:$0x3FB6] =	sst s10  }
0x35: {  	s10 =	sld [smem:$0x3FB5];
	_ =	sdelay $0x3  }
0x36: {  	p1 =	seq.s32 s10, $0x1;
	s10 =	sld [smem:$0x3FB6];
	_ =	sdelay $0x3  }
0x37: {  	[smem:$0x3FB6] =	sst s10  }
0x38: {  	s10 =	sld [smem:$0x3FB7]  }
0x39: {  	_ = 	snop;
	(pc) =	sbr.ind lr, $3  }
0x3a: {  	_ = 	snop  }
0x3b: {  	_ = 	snop  }
0x3c: {  	p2 =	seq.s32 s10, $0x1;
	s10 =	sld [smem:$0x3FB6]  }
0x3d: {  	_ =	shalt  }
0x3e: {  	_ =	shalt  }
0x3f: {  	_ =	shalt  }
0x40: {  	_ =	shalt  }
0x41: {  	_ =	shalt  }
0x42: {  	_ =	shalt  }
0x43: {  	_ =	shalt  }
0x44: {  	_ =	shalt  }
0x45: {  	_ =	shalt  }
0x46: {  	_ =	shalt  }
0x47: {  	_ =	shalt  }
0x48: {  	_ =	shalt  }
0x49: {  	_ =	shalt  }
0x4a: {  	_ =	shalt  }
0x4b: {  	_ =	shalt  }
0x4c: {  	_ =	shalt  }
0x4d: {  	_ =	shalt  }
0x4e: {  	_ =	shalt  }
0x4f: {  	_ =	shalt  }
0x50: {  	_ =	shalt  }
0x51: {  	_ =	shalt  }
0x52: {  	_ =	shalt  }
0x53: {  	_ =	shalt  }
0x54: {  	_ =	shalt  }
0x55: {  	_ =	shalt  }
0x56: {  	_ =	shalt  }
0x57: {  	_ =	shalt  }
0x58: {  	_ =	shalt  }
0x59: {  	_ =	shalt  }
0x5a: {  	_ =	shalt  }
0x5b: {  	_ =	shalt  }
0x5c: {  	_ =	shalt  }
0x5d: {  	_ =	shalt  }
0x5e: {  	_ =	shalt  }
0x5f: {  	_ =	shalt  }
0x60: {  	_ =	shalt  }
0x61: {  	_ =	shalt  }
0x62: {  	_ =	shalt  }
0x63: {  	_ =	shalt  }
0x64: {  	_ =	shalt  }
0x65: {  	_ =	shalt  }
0x66: {  	_ =	shalt  }
0x67: {  	_ =	shalt  }
0x68: {  	_ =	shalt  }
0x69: {  	_ =	shalt  }
0x6a: {  	_ =	shalt  }
0x6b: {  	_ =	shalt  }
0x6c: {  	_ =	shalt  }
0x6d: {  	_ =	shalt  }
0x6e: {  	_ =	shalt  }
0x6f: {  	_ =	shalt  }
0x70: {  	_ =	shalt  }
0x71: {  	_ =	shalt  }
0x72: {  	_ =	shalt  }
0x73: {  	_ =	shalt  }
0x74: {  	_ =	shalt  }
0x75: {  	_ =	shalt  }
0x76: {  	_ =	shalt  }
0x77: {  	_ =	shalt  }
0x78: {  	_ =	shalt  }
0x79: {  	_ =	shalt  }
0x7a: {  	_ =	shalt  }
0x7b: {  	_ =	shalt  }
0x7c: {  	_ =	shalt  }
0x7d: {  	_ =	shalt  }
0x7e: {  	_ =	shalt  }
0x7f: {  	_ =	shalt  }
0x80: {  	_ =	shalt  }
0x81: {  	_ =	shalt  }
0x82: {  	_ =	shalt  }
0x83: {  	_ =	shalt  }
0x84: {  	_ =	shalt  }
0x85: {  	_ =	shalt  }
0x86: {  	_ =	shalt  }
0x87: {  	_ =	shalt  }
.Lfunc_end0:
.L_simem_size_0:
called_computation.2_lowered:
.L_overlay_start_0:
0x88: {  	s2 =	sld [smem:$0x3FD9]  }
0x89: {  	s3 =	sld [smem:$0x3FFE];
	_ =	sdelay $0x1  }
0x8a: {  	s1 =	srdreg.scid  }
0x8b: {  	s0 =	sand.u32 $0x1, s1  }
0x8c: {  	s17 =	sshll.u32 s0, $0xA;
	s2 =	sadd.s32 s3, s2  }
0x8d: {  	s2 =	sadd.s32 s2, s17  }
0x8e: {  	[smem:$0x3FC2] =	sst s2  }
0x8f: {  	_ = 	snop  }
0x90: {  	s2 =	sld [smem:$0x3FD0];
	(tm) =	ssettm $0x1  }
0x91: {  	s18 =	sld [smem:$0x3FFB];
	_ =	sdelay $0x3  }
0x92: {  	_ =	strace s18  }
0x93: {  	s3 =	sld [smem:$0x3FFC];
	_ =	sdelay $0x3  }
0x94: {  	_ =	strace s3  }
0x95: {  	s3 =	sld [smem:$0x3FFD];
	_ =	sdelay $0x3  }
0x96: {  	_ =	strace s3  }
0x97: {  	_ =	strace $0x8FFFFFFF  }
0x98: {  	s19 =	sld [smem:$0x3FDB];
	_ =	sdelay $0x1  }
0x99: {  	s4 =	simm.s32 $_scs_section_size  }
0x9a: {  	s5 =	simm.s32 $_size__tile_overlayer_lowered;
	s6 =	simm.s32 $_tile_overlayer_lowered  }
0x9b: {  	s22 =	simm.s32 $0x1BFF;
	s21 =	sshll.u32 s6, $0x1;
	s3 =	sadd.s32 s4, s19  }
0x9c: {  	s7 =	simm.s32 $0x0;
	s20 =	sshll.u32 s5, $0x1;
	s5 =	sadd.s32 s21, s3  }
0x9d: {  	[timem:s7], [sflag:s22] =	dma.local [hbm:s5], s20  }
0x9e: {  	_ =	swait.ge [sflag:s22], s20  }
0x9f: {  	s4 =	ssub.s32 $0x0, s20;
	[sflag:s22] =	ssyncset.done $0x0  }
0xa0: {  	[sflag:s22] =	ssyncadd.s32 s4;
	_ =	sdelay $0x1  }
0xa1: {  	s23 =	simm.s32 $0x1B8B  }
0xa2: {  	_ =	swait.ge [sflag:s23], $0x1  }
0xa3: {  	[sflag:s23] =	ssyncset.done $0x0  }
0xa4: {  	s25 =	simm.s32 $0x1B8E;
	s24 =	sld [smem:$0x3FFE];
	[sflag:s23] =	ssyncadd.s32 $0xFFFFFFFF  }
0xa5: {  	s26 =	simm.s32 $execute0_lowered;
	[smem:$0x3FD2] =	sst s25  }
0xa6: {  	s5 =	sshll.u32 s26, $0x1;
	_ =	strace $0x8000004C;
	[dreg:$0x1] =	wrdreg $0xFFFFFFFF  }
0xa7: {  	s28 =	simm.s32 $_size_execute0_lowered;
	s3 =	sadd.s32 s3, s5;
	[dreg:$0x0] =	wrdreg $0x0  }
0xa8: {  	s5 =	sshll.u32 s28, $0x1;
	[dreg:$0x2] =	wrdreg s3  }
0xa9: {  	[dreg:$0x3] =	wrdreg s5  }
0xaa: {  	[dreg:$0x4] =	wrdreg $0xC0  }
0xab: {  	_ =	task [dreg:s7], $0x5FFFF  }
0xac: {  	[dreg:$0x1] =	wrdreg $0xFFFFFFFF  }
0xad: {  	[dreg:$0x0] =	wrdreg $0x60  }
0xae: {  	[dreg:$0x2] =	wrdreg s24  }
0xaf: {  	[dreg:$0x3] =	wrdreg s2  }
0xb0: {  	[dreg:$0x4] =	wrdreg $0x90000  }
0xb1: {  	[dreg:$0x5] =	wrdreg $0x9  }
0xb2: {  	_ =	task.clear_ibuf [dreg:s7], $0x6FFFF;
	_ =	strace $0x9000004C  }
0xb3: {  	s29 =	simm.s32 $0x9;
	_ =	strace $0x8000004E  }
0xb4: {  	_ =	swait.ge [sflag:s29], $0x1  }
0xb5: {  	[sflag:s29] =	ssyncadd.s32 $0xFFFFFFFF  }
0xb6: {  	_ =	strace $0x9000004E  }
0xb7: {  	_ =	sfence  }
0xb8: {  	s30 =	sld [smem:$0x0];
	_ =	sdelay $0x2  }
0xb9: {  	s31 =	sshll.u32 s1, $0xD;
	s1 =	sshrl.u32 s1, $0x2  }
0xba: {  	s3 =	sand.u32 $0x4000, s31;
	s1 =	sadd.s32 s1, s30  }
0xbb: {  	s0 =	sor.u32 s3, s0;
	s1 =	sshll.u32 s1, $0x11  }
0xbc: {  	s0 =	sor.u32 s1, s0  }
0xbd: {  	s0 =	sadd.s32 $0x8F2B, s0  }
0xbe: {  	[sflag:s0] =	ssyncadd.remote.s32 $0x1  }
0xbf: {  	_ =	sfence.sel $0xFFFF  }
0xc0: {  	[dreg:$0x0] =	wrdreg $0xFFFFFFFF;
	(pc) =	sbr.abs _section_cstart, $3  }
0xc1: {  	[dreg:$0x1] =	wrdreg $0xFFFFFFFF  }
0xc2: {  	_ =	task.clear_ibuf [dreg:s7], $0x2FFFF;
	_ =	strace $0x9FFFFFFF  }
0xc3: {  	(tm) =	ssettm $0x7FFFFFFF  }
tec
execute0_lowered:
.L_overlay_start_1:
0x0: {  	(tag) =	ssettag $0x1  }
0x1: {  	s1 =	rddreg [dreg:$0x0]  }
0x2: {  	s0 =	srdreg.scid;
	s5 =	rddreg [dreg:$0x1]  }
0x3: {  	s12 =	stileid.u32;
	s2 =	rddreg [dreg:$0x2];
	s3 =	simm.s32 $0x0  }
0x4: {  	s13 =	simm.s32 $0x100;
	s15 =	simm.s32 $0x880;
	s17 =	simm.s32 $0x180  }
0x5: {  	s18 =	simm.s32 $0x900;
	s19 =	simm.s32 $0x200;
	[smem:$0x7FF] =	sst s3  }
0x6: {  	s20 =	simm.s32 $0x980;
	_ =	strace $0x8000004D;
	[dreg:$0x6] =	wrdreg s13  }
0x7: {  	s21 =	simm.s32 $0x280;
	s22 =	simm.s32 $0xA00;
	[dreg:$0x7] =	wrdreg s15  }
0x8: {  	s23 =	simm.s32 $0x300;
	s24 =	simm.s32 $0xA80;
	[dreg:$0x8] =	wrdreg s17  }
0x9: {  	s25 =	simm.s32 $0x380;
	s28 =	simm.s32 $0x680;
	[dreg:$0x9] =	wrdreg s18  }
0xa: {  	s29 =	simm.s32 $0xE00;
	s30 =	simm.s32 $0x700;
	[dreg:$0xa] =	wrdreg s19  }
0xb: {  	s31 =	simm.s32 $0xE80;
	s4 =	smul.u32 $0x5000, s12;
	[dreg:$0xb] =	wrdreg s20  }
0xc: {  	s0 =	sand.u32 $0x1, s0;
	s7 =	smul.u32 $0x2800, s12;
	[dreg:$0xc] =	wrdreg s21  }
0xd: {  	s11 =	smul.u32 $0x50000, s12;
	s16 =	sshll.u32 s12, $0x6;
	[dreg:$0xd] =	wrdreg s22  }
0xe: {  	s12 =	simm.s32 $0x80;
	s6 =	smul.u32 $0x2800, s0;
	[dreg:$0xe] =	wrdreg s23  }
0xf: {  	s9 =	smul.u32 $0x28000, s0;
	s0 =	ssub.s32 $0x2, s0;
	[dreg:$0xf] =	wrdreg s24  }
0x10: {  	s13 =	simm.s32 $0x1000;
	[dreg:$0x10] =	wrdreg s25;
	s15 =	simm.s32 $0x5000  }
0x11: {  	s17 =	simm.s32 $0x400;
	s18 =	simm.s32 $0xB80;
	s19 =	simm.s32 $0x480  }
0x12: {  	s20 =	simm.s32 $0xC00;
	s21 =	simm.s32 $0x500;
	s22 =	simm.s32 $0xC80  }
0x13: {  	s23 =	simm.s32 $0x580;
	s24 =	simm.s32 $0xD00;
	s25 =	simm.s32 $0x600  }
0x14: {  	s10 =	sadd.s32 s7, s1;
	s26 =	sshrl.u32 s0, $0x1;
	s4 =	sadd.s32 s6, s4  }
0x15: {  	s7 =	sadd.s32 s7, s9;
	s0 =	ssub.s32 s0, s26;
	s9 =	sshrl.u32 s11, $0x2  }
0x16: {  	s14 =	sadd.s32 $0xCA00, s10;
	s10 =	simm.s32 $0x3;
	s26 =	simm.s32 $0xB00  }
0x17: {  	s6 =	sshrl.u32 s4, $0x3;
	s4 =	sadd.s32 $0x5CA00, s1;
	[dreg:$0x12] =	wrdreg s14  }
0x18: {  	s0 =	smax.u32 s0, $0x1;
	s14 =	simm.s32 $0x1;
	[dreg:$0x11] =	wrdreg s26  }
0x19: {  	s26 =	simm.s32 $0xD80;
	s8 =	sadd.s32 s6, s1;
	s1 =	sadd.s32 s7, s1  }
0x1a: {  	s5 =	sadd.s32 s6, s5;
	s6 =	sadd.s32 s9, s2;
	[dreg:$0x15] =	wrdreg s0  }
0x1b: {  	s7 =	sor.u32 $0x1C03, s16;
	s16 =	simm.s32 $0x2;
	[dreg:$0x4] =	wrdreg s5  }
0x1c: {  	s0 =	simm.s32 $0xF00;
	s11 =	sadd.s32 $0x2200, s8;
	[dreg:$0x13] =	wrdreg s7  }
0x1d: {  	s9 =	simm.s32 $0x0;
	s1 =	sadd.s32 $0x84A00, s1;
	[dreg:$0x5] =	wrdreg s11  }
0x1e: {  	s8 =	sshrl.u32 s6, $0x3;
	s5 =	simm.s32 $0xF80;
	[dreg:$0x14] =	wrdreg s1  }
0x1f: {  	s11 =	simm.s32 $0x800;
	s1 =	simm.s32 $0x780;
	[dreg:$0x16] =	wrdreg s8  }
.LBB2_1:
0x20: {  	[dreg:$0x17] =	wrdreg s9  }
0x21: {  	s6 =	rddreg [dreg:$0x12]  }
0x22: {  	[spmem:s8], [sflag:s7] =	dma.local [hbm:s6], $0x2800  }
0x23: {  	_ =	swait.ge [sflag:s10], $0x2800  }
0x24: {  	[sflag:s10] =	ssyncset.done $0x0  }
0x25: {  	[sflag:s10] =	ssyncadd.s32 $0xFFFFD800  }
0x26: {  	[bflag:$0x0] =	sbarrier.arrive $0xFFFF  }
0x27: {  	s7 =	rddreg [dreg:$0x5]  }
0x28: {  	s6 =	sadd.s32 $0x0, s7  }
0x29: {  	[tilespmem:s3], [sflag:$0x3] =	stream.linear.gather [hbm4b:s6+s3], $0x800, $0x38;
	[tilespmem:$0x1D000] =	vst v63  }
0x2a: {  	_ =	swait.ge [sflag:s10], $0x800  }
0x2b: {  	s8 =	rddreg [dreg:$0x4];
	[sflag:s10] =	ssyncset.done $0x0  }
0x2c: {  	[sflag:s10] =	ssyncadd.s32 $0xFFFFF800;
	s6 =	sadd.s32 $0x0, s8  }
0x2d: {  	[tilespmem:s11], [sflag:$0x3] =	stream.linear.gather [hbm4b:s6+s3], $0x800, $0x38;
	[tilespmem:$0x1D000] =	vst v63  }
0x2e: {  	_ =	swait.ge [sflag:s10], $0x800  }
0x2f: {  	[sflag:s10] =	ssyncset.done $0x0  }
0x30: {  	[sflag:s10] =	ssyncadd.s32 $0xFFFFF800  }
0x31: {  	[tilespmem:s13], [sflag:$0x1] =	stream.indirect.gather [hbm4b:s4+s12], $0x80, s3, s12, $0xb8;
	[tilespmem:$0x1D000] =	vst v63  }
0x32: {  	_ =	swait.ge [sflag:s14], $0x4000  }
0x33: {  	[sflag:s14] =	ssyncset.done $0x0  }
0x34: {  	[sflag:s14] =	ssyncadd.s32 $0xFFFFC000  }
0x35: {  	[tilespmem:s15], [sflag:$0x2] =	stream.indirect.gather [hbm4b:s4+s12], $0x80, s12, s12, $0xb8;
	[tilespmem:$0x1D000] =	vst v63  }
0x36: {  	_ = 	snop  }
0x37: {  	[spmem:s2] =	stream.indirect.scatter.add.f32 [tilespmem:s13], [sflag:$0x3], $0x80, s11, s12, $0xb8;
	[tilespmem:$0x1D000] =	vst v63  }
0x38: {  	_ =	swait.ge [sflag:s10], $0x4000  }
0x39: {  	[sflag:s10] =	ssyncset.done $0x0  }
0x3a: {  	[sflag:s10] =	ssyncadd.s32 $0xFFFFC000  }
0x3b: {  	_ =	swait.ge [sflag:s16], $0x4000  }
0x3c: {  	[sflag:s16] =	ssyncset.done $0x0  }
0x3d: {  	s9 =	rddreg [dreg:$0x6];
	[sflag:s16] =	ssyncadd.s32 $0xFFFFC000  }
0x3e: {  	[tilespmem:s13], [sflag:$0x1] =	stream.indirect.gather [hbm4b:s4+s12], $0x80, s9, s12, $0xb8;
	[tilespmem:$0x1D000] =	vst v63  }
0x3f: {  	s7 =	rddreg [dreg:$0x7]  }
0x40: {  	[spmem:s2] =	stream.indirect.scatter.add.f32 [tilespmem:s15], [sflag:$0x3], $0x80, s7, s12, $0xb8;
	[tilespmem:$0x1D000] =	vst v63  }
0x41: {  	_ =	swait.ge [sflag:s10], $0x4000  }
0x42: {  	[sflag:s10] =	ssyncset.done $0x0  }
0x43: {  	[sflag:s10] =	ssyncadd.s32 $0xFFFFC000  }
0x44: {  	_ =	swait.ge [sflag:s14], $0x4000  }
0x45: {  	[sflag:s14] =	ssyncset.done $0x0  }
0x46: {  	s9 =	rddreg [dreg:$0x8];
	[sflag:s14] =	ssyncadd.s32 $0xFFFFC000  }
0x47: {  	[tilespmem:s15], [sflag:$0x2] =	stream.indirect.gather [hbm4b:s4+s12], $0x80, s9, s12, $0xb8;
	[tilespmem:$0x1D000] =	vst v63  }
0x48: {  	s7 =	rddreg [dreg:$0x9]  }
0x49: {  	[spmem:s2] =	stream.indirect.scatter.add.f32 [tilespmem:s13], [sflag:$0x3], $0x80, s7, s12, $0xb8;
	[tilespmem:$0x1D000] =	vst v63  }
0x4a: {  	_ =	swait.ge [sflag:s10], $0x4000  }
0x4b: {  	[sflag:s10] =	ssyncset.done $0x0  }
0x4c: {  	[sflag:s10] =	ssyncadd.s32 $0xFFFFC000  }
0x4d: {  	_ =	swait.ge [sflag:s16], $0x4000  }
0x4e: {  	[sflag:s16] =	ssyncset.done $0x0  }
0x4f: {  	s9 =	rddreg [dreg:$0xa];
	[sflag:s16] =	ssyncadd.s32 $0xFFFFC000  }
0x50: {  	[tilespmem:s13], [sflag:$0x1] =	stream.indirect.gather [hbm4b:s4+s12], $0x80, s9, s12, $0xb8;
	[tilespmem:$0x1D000] =	vst v63  }
0x51: {  	s7 =	rddreg [dreg:$0xb]  }
0x52: {  	[spmem:s2] =	stream.indirect.scatter.add.f32 [tilespmem:s15], [sflag:$0x3], $0x80, s7, s12, $0xb8;
	[tilespmem:$0x1D000] =	vst v63  }
0x53: {  	_ =	swait.ge [sflag:s10], $0x4000  }
0x54: {  	[sflag:s10] =	ssyncset.done $0x0  }
0x55: {  	[sflag:s10] =	ssyncadd.s32 $0xFFFFC000  }
0x56: {  	_ =	swait.ge [sflag:s14], $0x4000  }
0x57: {  	[sflag:s14] =	ssyncset.done $0x0  }
0x58: {  	s9 =	rddreg [dreg:$0xc];
	[sflag:s14] =	ssyncadd.s32 $0xFFFFC000  }
0x59: {  	[tilespmem:s15], [sflag:$0x2] =	stream.indirect.gather [hbm4b:s4+s12], $0x80, s9, s12, $0xb8;
	[tilespmem:$0x1D000] =	vst v63  }
0x5a: {  	s7 =	rddreg [dreg:$0xd]  }
0x5b: {  	[spmem:s2] =	stream.indirect.scatter.add.f32 [tilespmem:s13], [sflag:$0x3], $0x80, s7, s12, $0xb8;
	[tilespmem:$0x1D000] =	vst v63  }
0x5c: {  	_ =	swait.ge [sflag:s10], $0x4000  }
0x5d: {  	[sflag:s10] =	ssyncset.done $0x0  }
0x5e: {  	[sflag:s10] =	ssyncadd.s32 $0xFFFFC000  }
0x5f: {  	_ =	swait.ge [sflag:s16], $0x4000  }
0x60: {  	[sflag:s16] =	ssyncset.done $0x0  }
0x61: {  	s9 =	rddreg [dreg:$0xe];
	[sflag:s16] =	ssyncadd.s32 $0xFFFFC000  }
0x62: {  	[tilespmem:s13], [sflag:$0x1] =	stream.indirect.gather [hbm4b:s4+s12], $0x80, s9, s12, $0xb8;
	[tilespmem:$0x1D000] =	vst v63  }
0x63: {  	s7 =	rddreg [dreg:$0xf]  }
0x64: {  	[spmem:s2] =	stream.indirect.scatter.add.f32 [tilespmem:s15], [sflag:$0x3], $0x80, s7, s12, $0xb8;
	[tilespmem:$0x1D000] =	vst v63  }
0x65: {  	_ =	swait.ge [sflag:s10], $0x4000  }
0x66: {  	[sflag:s10] =	ssyncset.done $0x0  }
0x67: {  	[sflag:s10] =	ssyncadd.s32 $0xFFFFC000  }
0x68: {  	_ =	swait.ge [sflag:s14], $0x4000  }
0x69: {  	[sflag:s14] =	ssyncset.done $0x0  }
0x6a: {  	s8 =	rddreg [dreg:$0x10];
	[sflag:s14] =	ssyncadd.s32 $0xFFFFC000  }
0x6b: {  	[tilespmem:s15], [sflag:$0x2] =	stream.indirect.gather [hbm4b:s4+s12], $0x80, s8, s12, $0xb8;
	[tilespmem:$0x1D000] =	vst v63  }
0x6c: {  	s9 =	rddreg [dreg:$0x11]  }
0x6d: {  	[spmem:s2] =	stream.indirect.scatter.add.f32 [tilespmem:s13], [sflag:$0x3], $0x80, s9, s12, $0xb8;
	[tilespmem:$0x1D000] =	vst v63  }
0x6e: {  	_ =	swait.ge [sflag:s10], $0x4000  }
0x6f: {  	[sflag:s10] =	ssyncset.done $0x0  }
0x70: {  	[sflag:s10] =	ssyncadd.s32 $0xFFFFC000  }
0x71: {  	_ =	swait.ge [sflag:s16], $0x4000  }
0x72: {  	[sflag:s16] =	ssyncset.done $0x0  }
0x73: {  	[sflag:s16] =	ssyncadd.s32 $0xFFFFC000  }
0x74: {  	[tilespmem:s13], [sflag:$0x1] =	stream.indirect.gather [hbm4b:s4+s12], $0x80, s17, s12, $0xb8;
	[tilespmem:$0x1D000] =	vst v63  }
0x75: {  	_ = 	snop  }
0x76: {  	[spmem:s2] =	stream.indirect.scatter.add.f32 [tilespmem:s15], [sflag:$0x3], $0x80, s18, s12, $0xb8;
	[tilespmem:$0x1D000] =	vst v63  }
0x77: {  	_ =	swait.ge [sflag:s10], $0x4000  }
0x78: {  	[sflag:s10] =	ssyncset.done $0x0  }
0x79: {  	[sflag:s10] =	ssyncadd.s32 $0xFFFFC000  }
0x7a: {  	_ =	swait.ge [sflag:s14], $0x4000  }
0x7b: {  	[sflag:s14] =	ssyncset.done $0x0  }
0x7c: {  	[sflag:s14] =	ssyncadd.s32 $0xFFFFC000  }
0x7d: {  	[tilespmem:s15], [sflag:$0x2] =	stream.indirect.gather [hbm4b:s4+s12], $0x80, s19, s12, $0xb8;
	[tilespmem:$0x1D000] =	vst v63  }
0x7e: {  	_ = 	snop  }
0x7f: {  	[spmem:s2] =	stream.indirect.scatter.add.f32 [tilespmem:s13], [sflag:$0x3], $0x80, s20, s12, $0xb8;
	[tilespmem:$0x1D000] =	vst v63  }
0x80: {  	_ =	swait.ge [sflag:s10], $0x4000  }
0x81: {  	[sflag:s10] =	ssyncset.done $0x0  }
0x82: {  	[sflag:s10] =	ssyncadd.s32 $0xFFFFC000  }
0x83: {  	_ =	swait.ge [sflag:s16], $0x4000  }
0x84: {  	[sflag:s16] =	ssyncset.done $0x0  }
0x85: {  	[sflag:s16] =	ssyncadd.s32 $0xFFFFC000  }
0x86: {  	[tilespmem:s13], [sflag:$0x1] =	stream.indirect.gather [hbm4b:s4+s12], $0x80, s21, s12, $0xb8;
	[tilespmem:$0x1D000] =	vst v63  }
0x87: {  	_ = 	snop  }
0x88: {  	[spmem:s2] =	stream.indirect.scatter.add.f32 [tilespmem:s15], [sflag:$0x3], $0x80, s22, s12, $0xb8;
	[tilespmem:$0x1D000] =	vst v63  }
0x89: {  	_ =	swait.ge [sflag:s10], $0x4000  }
0x8a: {  	[sflag:s10] =	ssyncset.done $0x0  }
0x8b: {  	[sflag:s10] =	ssyncadd.s32 $0xFFFFC000  }
0x8c: {  	_ =	swait.ge [sflag:s14], $0x4000  }
0x8d: {  	[sflag:s14] =	ssyncset.done $0x0  }
0x8e: {  	[sflag:s14] =	ssyncadd.s32 $0xFFFFC000  }
0x8f: {  	[tilespmem:s15], [sflag:$0x2] =	stream.indirect.gather [hbm4b:s4+s12], $0x80, s23, s12, $0xb8;
	[tilespmem:$0x1D000] =	vst v63  }
0x90: {  	_ = 	snop  }
0x91: {  	[spmem:s2] =	stream.indirect.scatter.add.f32 [tilespmem:s13], [sflag:$0x3], $0x80, s24, s12, $0xb8;
	[tilespmem:$0x1D000] =	vst v63  }
0x92: {  	_ =	swait.ge [sflag:s10], $0x4000  }
0x93: {  	[sflag:s10] =	ssyncset.done $0x0  }
0x94: {  	[sflag:s10] =	ssyncadd.s32 $0xFFFFC000  }
0x95: {  	_ =	swait.ge [sflag:s16], $0x4000  }
0x96: {  	[sflag:s16] =	ssyncset.done $0x0  }
0x97: {  	[sflag:s16] =	ssyncadd.s32 $0xFFFFC000  }
0x98: {  	[tilespmem:s13], [sflag:$0x1] =	stream.indirect.gather [hbm4b:s4+s12], $0x80, s25, s12, $0xb8;
	[tilespmem:$0x1D000] =	vst v63  }
0x99: {  	_ = 	snop  }
0x9a: {  	[spmem:s2] =	stream.indirect.scatter.add.f32 [tilespmem:s15], [sflag:$0x3], $0x80, s26, s12, $0xb8;
	[tilespmem:$0x1D000] =	vst v63  }
0x9b: {  	_ =	swait.ge [sflag:s10], $0x4000  }
0x9c: {  	[sflag:s10] =	ssyncset.done $0x0  }
0x9d: {  	[sflag:s10] =	ssyncadd.s32 $0xFFFFC000  }
0x9e: {  	_ =	swait.ge [sflag:s14], $0x4000  }
0x9f: {  	[sflag:s14] =	ssyncset.done $0x0  }
0xa0: {  	[sflag:s14] =	ssyncadd.s32 $0xFFFFC000  }
0xa1: {  	[tilespmem:s15], [sflag:$0x2] =	stream.indirect.gather [hbm4b:s4+s12], $0x80, s28, s12, $0xb8;
	[tilespmem:$0x1D000] =	vst v63  }
0xa2: {  	_ = 	snop  }
0xa3: {  	[spmem:s2] =	stream.indirect.scatter.add.f32 [tilespmem:s13], [sflag:$0x3], $0x80, s29, s12, $0xb8;
	[tilespmem:$0x1D000] =	vst v63  }
0xa4: {  	_ =	swait.ge [sflag:s10], $0x4000  }
0xa5: {  	[sflag:s10] =	ssyncset.done $0x0  }
0xa6: {  	[sflag:s10] =	ssyncadd.s32 $0xFFFFC000  }
0xa7: {  	_ =	swait.ge [sflag:s16], $0x4000  }
0xa8: {  	[sflag:s16] =	ssyncset.done $0x0  }
0xa9: {  	[sflag:s16] =	ssyncadd.s32 $0xFFFFC000  }
0xaa: {  	[tilespmem:s13], [sflag:$0x1] =	stream.indirect.gather [hbm4b:s4+s12], $0x80, s30, s12, $0xb8;
	[tilespmem:$0x1D000] =	vst v63  }
0xab: {  	_ = 	snop  }
0xac: {  	[spmem:s2] =	stream.indirect.scatter.add.f32 [tilespmem:s15], [sflag:$0x3], $0x80, s31, s12, $0xb8;
	[tilespmem:$0x1D000] =	vst v63  }
0xad: {  	_ =	swait.ge [sflag:s10], $0x4000  }
0xae: {  	[sflag:s10] =	ssyncset.done $0x0  }
0xaf: {  	[sflag:s10] =	ssyncadd.s32 $0xFFFFC000  }
0xb0: {  	_ =	swait.ge [sflag:s14], $0x4000  }
0xb1: {  	[sflag:s14] =	ssyncset.done $0x0  }
0xb2: {  	[sflag:s14] =	ssyncadd.s32 $0xFFFFC000  }
0xb3: {  	[tilespmem:s15], [sflag:$0x2] =	stream.indirect.gather [hbm4b:s4+s12], $0x80, s1, s12, $0xb8;
	[tilespmem:$0x1D000] =	vst v63  }
0xb4: {  	_ = 	snop  }
0xb5: {  	[spmem:s2] =	stream.indirect.scatter.add.f32 [tilespmem:s13], [sflag:$0x3], $0x80, s0, s12, $0xb8;
	[tilespmem:$0x1D000] =	vst v63  }
0xb6: {  	_ =	swait.ge [sflag:s10], $0x4000  }
0xb7: {  	[sflag:s10] =	ssyncset.done $0x0  }
0xb8: {  	[sflag:s10] =	ssyncadd.s32 $0xFFFFC000  }
0xb9: {  	_ =	swait.ge [sflag:s16], $0x4000  }
0xba: {  	[sflag:s16] =	ssyncset.done $0x0  }
0xbb: {  	[sflag:s16] =	ssyncadd.s32 $0xFFFFC000  }
0xbc: {  	[spmem:s2] =	stream.indirect.scatter.add.f32 [tilespmem:s15], [sflag:$0x3], $0x80, s5, s12, $0xb8;
	[tilespmem:$0x1D000] =	vst v63  }
0xbd: {  	s6 =	simm.s32 $0x200;
	_ =	swait.ge [sflag:s10], $0x4000  }
0xbe: {  	s8 =	simm.s32 $0x100;
	s9 =	rddreg [dreg:$0x5];
	[sflag:s10] =	ssyncset.done $0x0  }
.LBB2_2:
0xbf: {  	[sflag:s10] =	ssyncadd.s32 $0xFFFFC000;
	s9 =	sadd.s32 s8, s9  }
0xc0: {  	[tilespmem:s3], [sflag:$0x3] =	stream.linear.gather [hbm4b:s9+s3], $0x800, $0x38;
	[tilespmem:$0x1D000] =	vst v63  }
0xc1: {  	_ =	swait.ge [sflag:s10], $0x800  }
0xc2: {  	s9 =	rddreg [dreg:$0x4];
	[sflag:s10] =	ssyncset.done $0x0  }
0xc3: {  	[sflag:s10] =	ssyncadd.s32 $0xFFFFF800;
	s9 =	sadd.s32 s8, s9  }
0xc4: {  	[tilespmem:s11], [sflag:$0x3] =	stream.linear.gather [hbm4b:s9+s3], $0x800, $0x38;
	[tilespmem:$0x1D000] =	vst v63  }
0xc5: {  	_ =	swait.ge [sflag:s10], $0x800  }
0xc6: {  	[sflag:s10] =	ssyncset.done $0x0  }
0xc7: {  	[sflag:s10] =	ssyncadd.s32 $0xFFFFF800  }
0xc8: {  	[tilespmem:s13], [sflag:$0x1] =	stream.indirect.gather [hbm4b:s4+s12], $0x80, s3, s12, $0xb8;
	[tilespmem:$0x1D000] =	vst v63  }
0xc9: {  	_ =	swait.ge [sflag:s14], $0x4000  }
0xca: {  	[sflag:s14] =	ssyncset.done $0x0  }
0xcb: {  	[sflag:s14] =	ssyncadd.s32 $0xFFFFC000  }
0xcc: {  	[tilespmem:s15], [sflag:$0x2] =	stream.indirect.gather [hbm4b:s4+s12], $0x80, s12, s12, $0xb8;
	[tilespmem:$0x1D000] =	vst v63  }
0xcd: {  	_ = 	snop  }
0xce: {  	[spmem:s2] =	stream.indirect.scatter.add.f32 [tilespmem:s13], [sflag:$0x3], $0x80, s11, s12, $0xb8;
	[tilespmem:$0x1D000] =	vst v63  }
0xcf: {  	_ =	swait.ge [sflag:s10], $0x4000  }
0xd0: {  	[sflag:s10] =	ssyncset.done $0x0  }
0xd1: {  	[sflag:s10] =	ssyncadd.s32 $0xFFFFC000  }
0xd2: {  	_ =	swait.ge [sflag:s16], $0x4000  }
0xd3: {  	s7 =	smov.u32 s6;
	[sflag:s16] =	ssyncset.done $0x0  }
0xd4: {  	s8 =	smov.u32 s7;
	s7 =	rddreg [dreg:$0x6];
	[sflag:s16] =	ssyncadd.s32 $0xFFFFC000  }
0xd5: {  	[tilespmem:s13], [sflag:$0x1] =	stream.indirect.gather [hbm4b:s4+s12], $0x80, s7, s12, $0xb8;
	[tilespmem:$0x1D000] =	vst v63  }
0xd6: {  	s9 =	rddreg [dreg:$0x7]  }
0xd7: {  	[spmem:s2] =	stream.indirect.scatter.add.f32 [tilespmem:s15], [sflag:$0x3], $0x80, s9, s12, $0xb8;
	[tilespmem:$0x1D000] =	vst v63  }
0xd8: {  	_ =	swait.ge [sflag:s10], $0x4000  }
0xd9: {  	[sflag:s10] =	ssyncset.done $0x0  }
0xda: {  	[sflag:s10] =	ssyncadd.s32 $0xFFFFC000  }
0xdb: {  	_ =	swait.ge [sflag:s14], $0x4000  }
0xdc: {  	[sflag:s14] =	ssyncset.done $0x0  }
0xdd: {  	s7 =	rddreg [dreg:$0x8];
	[sflag:s14] =	ssyncadd.s32 $0xFFFFC000  }
0xde: {  	[tilespmem:s15], [sflag:$0x2] =	stream.indirect.gather [hbm4b:s4+s12], $0x80, s7, s12, $0xb8;
	[tilespmem:$0x1D000] =	vst v63  }
0xdf: {  	s9 =	rddreg [dreg:$0x9]  }
0xe0: {  	[spmem:s2] =	stream.indirect.scatter.add.f32 [tilespmem:s13], [sflag:$0x3], $0x80, s9, s12, $0xb8;
	[tilespmem:$0x1D000] =	vst v63  }
0xe1: {  	_ =	swait.ge [sflag:s10], $0x4000  }
0xe2: {  	[sflag:s10] =	ssyncset.done $0x0  }
0xe3: {  	[sflag:s10] =	ssyncadd.s32 $0xFFFFC000  }
0xe4: {  	_ =	swait.ge [sflag:s16], $0x4000  }
0xe5: {  	[sflag:s16] =	ssyncset.done $0x0  }
0xe6: {  	s7 =	rddreg [dreg:$0xa];
	[sflag:s16] =	ssyncadd.s32 $0xFFFFC000  }
0xe7: {  	[tilespmem:s13], [sflag:$0x1] =	stream.indirect.gather [hbm4b:s4+s12], $0x80, s7, s12, $0xb8;
	[tilespmem:$0x1D000] =	vst v63  }
0xe8: {  	s9 =	rddreg [dreg:$0xb]  }
0xe9: {  	[spmem:s2] =	stream.indirect.scatter.add.f32 [tilespmem:s15], [sflag:$0x3], $0x80, s9, s12, $0xb8;
	[tilespmem:$0x1D000] =	vst v63  }
0xea: {  	_ =	swait.ge [sflag:s10], $0x4000  }
0xeb: {  	[sflag:s10] =	ssyncset.done $0x0  }
0xec: {  	[sflag:s10] =	ssyncadd.s32 $0xFFFFC000  }
0xed: {  	_ =	swait.ge [sflag:s14], $0x4000  }
0xee: {  	[sflag:s14] =	ssyncset.done $0x0  }
0xef: {  	s7 =	rddreg [dreg:$0xc];
	[sflag:s14] =	ssyncadd.s32 $0xFFFFC000  }
0xf0: {  	[tilespmem:s15], [sflag:$0x2] =	stream.indirect.gather [hbm4b:s4+s12], $0x80, s7, s12, $0xb8;
	[tilespmem:$0x1D000] =	vst v63  }
0xf1: {  	s9 =	rddreg [dreg:$0xd]  }
0xf2: {  	[spmem:s2] =	stream.indirect.scatter.add.f32 [tilespmem:s13], [sflag:$0x3], $0x80, s9, s12, $0xb8;
	[tilespmem:$0x1D000] =	vst v63  }
0xf3: {  	_ =	swait.ge [sflag:s10], $0x4000  }
0xf4: {  	[sflag:s10] =	ssyncset.done $0x0  }
0xf5: {  	[sflag:s10] =	ssyncadd.s32 $0xFFFFC000  }
0xf6: {  	_ =	swait.ge [sflag:s16], $0x4000  }
0xf7: {  	[sflag:s16] =	ssyncset.done $0x0  }
0xf8: {  	s7 =	rddreg [dreg:$0xe];
	[sflag:s16] =	ssyncadd.s32 $0xFFFFC000  }
0xf9: {  	[tilespmem:s13], [sflag:$0x1] =	stream.indirect.gather [hbm4b:s4+s12], $0x80, s7, s12, $0xb8;
	[tilespmem:$0x1D000] =	vst v63  }
0xfa: {  	s9 =	rddreg [dreg:$0xf]  }
0xfb: {  	[spmem:s2] =	stream.indirect.scatter.add.f32 [tilespmem:s15], [sflag:$0x3], $0x80, s9, s12, $0xb8;
	[tilespmem:$0x1D000] =	vst v63  }
0xfc: {  	_ =	swait.ge [sflag:s10], $0x4000  }
0xfd: {  	[sflag:s10] =	ssyncset.done $0x0  }
0xfe: {  	[sflag:s10] =	ssyncadd.s32 $0xFFFFC000  }
0xff: {  	_ =	swait.ge [sflag:s14], $0x4000  }
0x100: {  	[sflag:s14] =	ssyncset.done $0x0  }
0x101: {  	s7 =	rddreg [dreg:$0x10];
	[sflag:s14] =	ssyncadd.s32 $0xFFFFC000  }
0x102: {  	[tilespmem:s15], [sflag:$0x2] =	stream.indirect.gather [hbm4b:s4+s12], $0x80, s7, s12, $0xb8;
	[tilespmem:$0x1D000] =	vst v63  }
0x103: {  	s9 =	rddreg [dreg:$0x11]  }
0x104: {  	[spmem:s2] =	stream.indirect.scatter.add.f32 [tilespmem:s13], [sflag:$0x3], $0x80, s9, s12, $0xb8;
	[tilespmem:$0x1D000] =	vst v63  }
0x105: {  	_ =	swait.ge [sflag:s10], $0x4000  }
0x106: {  	[sflag:s10] =	ssyncset.done $0x0  }
0x107: {  	[sflag:s10] =	ssyncadd.s32 $0xFFFFC000  }
0x108: {  	_ =	swait.ge [sflag:s16], $0x4000  }
0x109: {  	[sflag:s16] =	ssyncset.done $0x0  }
0x10a: {  	[sflag:s16] =	ssyncadd.s32 $0xFFFFC000  }
0x10b: {  	[tilespmem:s13], [sflag:$0x1] =	stream.indirect.gather [hbm4b:s4+s12], $0x80, s17, s12, $0xb8;
	[tilespmem:$0x1D000] =	vst v63  }
0x10c: {  	_ = 	snop  }
0x10d: {  	[spmem:s2] =	stream.indirect.scatter.add.f32 [tilespmem:s15], [sflag:$0x3], $0x80, s18, s12, $0xb8;
	[tilespmem:$0x1D000] =	vst v63  }
0x10e: {  	_ =	swait.ge [sflag:s10], $0x4000  }
0x10f: {  	[sflag:s10] =	ssyncset.done $0x0  }
0x110: {  	[sflag:s10] =	ssyncadd.s32 $0xFFFFC000  }
0x111: {  	_ =	swait.ge [sflag:s14], $0x4000  }
0x112: {  	[sflag:s14] =	ssyncset.done $0x0  }
0x113: {  	[sflag:s14] =	ssyncadd.s32 $0xFFFFC000  }
0x114: {  	[tilespmem:s15], [sflag:$0x2] =	stream.indirect.gather [hbm4b:s4+s12], $0x80, s19, s12, $0xb8;
	[tilespmem:$0x1D000] =	vst v63  }
0x115: {  	_ = 	snop  }
0x116: {  	[spmem:s2] =	stream.indirect.scatter.add.f32 [tilespmem:s13], [sflag:$0x3], $0x80, s20, s12, $0xb8;
	[tilespmem:$0x1D000] =	vst v63  }
0x117: {  	_ =	swait.ge [sflag:s10], $0x4000  }
0x118: {  	[sflag:s10] =	ssyncset.done $0x0  }
0x119: {  	[sflag:s10] =	ssyncadd.s32 $0xFFFFC000  }
0x11a: {  	_ =	swait.ge [sflag:s16], $0x4000  }
0x11b: {  	[sflag:s16] =	ssyncset.done $0x0  }
0x11c: {  	[sflag:s16] =	ssyncadd.s32 $0xFFFFC000  }
0x11d: {  	[tilespmem:s13], [sflag:$0x1] =	stream.indirect.gather [hbm4b:s4+s12], $0x80, s21, s12, $0xb8;
	[tilespmem:$0x1D000] =	vst v63  }
0x11e: {  	_ = 	snop  }
0x11f: {  	[spmem:s2] =	stream.indirect.scatter.add.f32 [tilespmem:s15], [sflag:$0x3], $0x80, s22, s12, $0xb8;
	[tilespmem:$0x1D000] =	vst v63  }
0x120: {  	_ =	swait.ge [sflag:s10], $0x4000  }
0x121: {  	[sflag:s10] =	ssyncset.done $0x0  }
0x122: {  	[sflag:s10] =	ssyncadd.s32 $0xFFFFC000  }
0x123: {  	_ =	swait.ge [sflag:s14], $0x4000  }
0x124: {  	[sflag:s14] =	ssyncset.done $0x0  }
0x125: {  	[sflag:s14] =	ssyncadd.s32 $0xFFFFC000  }
0x126: {  	[tilespmem:s15], [sflag:$0x2] =	stream.indirect.gather [hbm4b:s4+s12], $0x80, s23, s12, $0xb8;
	[tilespmem:$0x1D000] =	vst v63  }
0x127: {  	_ = 	snop  }
0x128: {  	[spmem:s2] =	stream.indirect.scatter.add.f32 [tilespmem:s13], [sflag:$0x3], $0x80, s24, s12, $0xb8;
	[tilespmem:$0x1D000] =	vst v63  }
0x129: {  	_ =	swait.ge [sflag:s10], $0x4000  }
0x12a: {  	[sflag:s10] =	ssyncset.done $0x0  }
0x12b: {  	[sflag:s10] =	ssyncadd.s32 $0xFFFFC000  }
0x12c: {  	_ =	swait.ge [sflag:s16], $0x4000  }
0x12d: {  	[sflag:s16] =	ssyncset.done $0x0  }
0x12e: {  	[sflag:s16] =	ssyncadd.s32 $0xFFFFC000  }
0x12f: {  	[tilespmem:s13], [sflag:$0x1] =	stream.indirect.gather [hbm4b:s4+s12], $0x80, s25, s12, $0xb8;
	[tilespmem:$0x1D000] =	vst v63  }
0x130: {  	_ = 	snop  }
0x131: {  	[spmem:s2] =	stream.indirect.scatter.add.f32 [tilespmem:s15], [sflag:$0x3], $0x80, s26, s12, $0xb8;
	[tilespmem:$0x1D000] =	vst v63  }
0x132: {  	_ =	swait.ge [sflag:s10], $0x4000  }
0x133: {  	[sflag:s10] =	ssyncset.done $0x0  }
0x134: {  	[sflag:s10] =	ssyncadd.s32 $0xFFFFC000  }
0x135: {  	_ =	swait.ge [sflag:s14], $0x4000  }
0x136: {  	[sflag:s14] =	ssyncset.done $0x0  }
0x137: {  	[sflag:s14] =	ssyncadd.s32 $0xFFFFC000  }
0x138: {  	[tilespmem:s15], [sflag:$0x2] =	stream.indirect.gather [hbm4b:s4+s12], $0x80, s28, s12, $0xb8;
	[tilespmem:$0x1D000] =	vst v63  }
0x139: {  	_ = 	snop  }
0x13a: {  	[spmem:s2] =	stream.indirect.scatter.add.f32 [tilespmem:s13], [sflag:$0x3], $0x80, s29, s12, $0xb8;
	[tilespmem:$0x1D000] =	vst v63  }
0x13b: {  	_ =	swait.ge [sflag:s10], $0x4000  }
0x13c: {  	[sflag:s10] =	ssyncset.done $0x0  }
0x13d: {  	[sflag:s10] =	ssyncadd.s32 $0xFFFFC000  }
0x13e: {  	_ =	swait.ge [sflag:s16], $0x4000  }
0x13f: {  	[sflag:s16] =	ssyncset.done $0x0  }
0x140: {  	[sflag:s16] =	ssyncadd.s32 $0xFFFFC000  }
0x141: {  	[tilespmem:s13], [sflag:$0x1] =	stream.indirect.gather [hbm4b:s4+s12], $0x80, s30, s12, $0xb8;
	[tilespmem:$0x1D000] =	vst v63  }
0x142: {  	_ = 	snop  }
0x143: {  	[spmem:s2] =	stream.indirect.scatter.add.f32 [tilespmem:s15], [sflag:$0x3], $0x80, s31, s12, $0xb8;
	[tilespmem:$0x1D000] =	vst v63  }
0x144: {  	_ =	swait.ge [sflag:s10], $0x4000  }
0x145: {  	[sflag:s10] =	ssyncset.done $0x0  }
0x146: {  	[sflag:s10] =	ssyncadd.s32 $0xFFFFC000  }
0x147: {  	_ =	swait.ge [sflag:s14], $0x4000  }
0x148: {  	[sflag:s14] =	ssyncset.done $0x0  }
0x149: {  	[sflag:s14] =	ssyncadd.s32 $0xFFFFC000  }
0x14a: {  	[tilespmem:s15], [sflag:$0x2] =	stream.indirect.gather [hbm4b:s4+s12], $0x80, s1, s12, $0xb8;
	[tilespmem:$0x1D000] =	vst v63  }
0x14b: {  	_ = 	snop  }
0x14c: {  	[spmem:s2] =	stream.indirect.scatter.add.f32 [tilespmem:s13], [sflag:$0x3], $0x80, s0, s12, $0xb8;
	[tilespmem:$0x1D000] =	vst v63  }
0x14d: {  	_ =	swait.ge [sflag:s10], $0x4000  }
0x14e: {  	[sflag:s10] =	ssyncset.done $0x0  }
0x14f: {  	[sflag:s10] =	ssyncadd.s32 $0xFFFFC000  }
0x150: {  	p0 =	sne.s32 s6, $0x400;
	_ =	swait.ge [sflag:s16], $0x4000  }
.Ltmp0:
0x151: {  	[sflag:s16] =	ssyncset.done $0x0;
	(pc) =	sbr.rel @p0 .LBB2_2-.Ltmp0, $4  }
0x152: {  	[sflag:s16] =	ssyncadd.s32 $0xFFFFC000  }
0x153: {  	[spmem:s2] =	stream.indirect.scatter.add.f32 [tilespmem:s15], [sflag:$0x3], $0x80, s5, s12, $0xb8;
	[tilespmem:$0x1D000] =	vst v63  }
0x154: {  	_ =	swait.ge [sflag:s10], $0x4000  }
0x155: {  	s6 =	sadd.s32 $0x100, s6;
	s9 =	rddreg [dreg:$0x5];
	[sflag:s10] =	ssyncset.done $0x0  }
0x156: {  	[sflag:s10] =	ssyncadd.s32 $0xFFFFC000;
	s6 =	sadd.s32 s8, s9  }
0x157: {  	[tilespmem:s3], [sflag:$0x3] =	stream.linear.gather [hbm4b:s6+s3], $0x800, $0x38;
	[tilespmem:$0x1D000] =	vst v63  }
0x158: {  	_ =	swait.ge [sflag:s10], $0x800  }
0x159: {  	s7 =	rddreg [dreg:$0x4];
	[sflag:s10] =	ssyncset.done $0x0  }
0x15a: {  	[sflag:s10] =	ssyncadd.s32 $0xFFFFF800;
	s6 =	sadd.s32 s8, s7  }
0x15b: {  	[tilespmem:s11], [sflag:$0x3] =	stream.linear.gather [hbm4b:s6+s3], $0x800, $0x38;
	[tilespmem:$0x1D000] =	vst v63  }
0x15c: {  	_ =	swait.ge [sflag:s10], $0x800  }
0x15d: {  	[sflag:s10] =	ssyncset.done $0x0  }
0x15e: {  	[sflag:s10] =	ssyncadd.s32 $0xFFFFF800  }
0x15f: {  	[tilespmem:s13], [sflag:$0x1] =	stream.indirect.gather [hbm4b:s4+s12], $0x80, s3, s12, $0xb8;
	[tilespmem:$0x1D000] =	vst v63  }
0x160: {  	_ =	swait.ge [sflag:s14], $0x4000  }
0x161: {  	[sflag:s14] =	ssyncset.done $0x0  }
0x162: {  	[sflag:s14] =	ssyncadd.s32 $0xFFFFC000  }
0x163: {  	[tilespmem:s15], [sflag:$0x2] =	stream.indirect.gather [hbm4b:s4+s12], $0x80, s12, s12, $0xb8;
	[tilespmem:$0x1D000] =	vst v63  }
0x164: {  	_ = 	snop  }
0x165: {  	[spmem:s2] =	stream.indirect.scatter.add.f32 [tilespmem:s13], [sflag:$0x3], $0x80, s11, s12, $0xb8;
	[tilespmem:$0x1D000] =	vst v63  }
0x166: {  	_ =	swait.ge [sflag:s10], $0x4000  }
0x167: {  	[sflag:s10] =	ssyncset.done $0x0  }
0x168: {  	[sflag:s10] =	ssyncadd.s32 $0xFFFFC000  }
0x169: {  	_ =	swait.ge [sflag:s16], $0x4000  }
0x16a: {  	[sflag:s16] =	ssyncset.done $0x0  }
0x16b: {  	s9 =	rddreg [dreg:$0x6];
	[sflag:s16] =	ssyncadd.s32 $0xFFFFC000  }
0x16c: {  	[tilespmem:s13], [sflag:$0x1] =	stream.indirect.gather [hbm4b:s4+s12], $0x80, s9, s12, $0xb8;
	[tilespmem:$0x1D000] =	vst v63  }
0x16d: {  	s7 =	rddreg [dreg:$0x7]  }
0x16e: {  	[spmem:s2] =	stream.indirect.scatter.add.f32 [tilespmem:s15], [sflag:$0x3], $0x80, s7, s12, $0xb8;
	[tilespmem:$0x1D000] =	vst v63  }
0x16f: {  	_ =	swait.ge [sflag:s10], $0x4000  }
0x170: {  	[sflag:s10] =	ssyncset.done $0x0  }
0x171: {  	[sflag:s10] =	ssyncadd.s32 $0xFFFFC000  }
0x172: {  	_ =	swait.ge [sflag:s14], $0x4000  }
0x173: {  	[sflag:s14] =	ssyncset.done $0x0  }
0x174: {  	s8 =	rddreg [dreg:$0x8];
	[sflag:s14] =	ssyncadd.s32 $0xFFFFC000  }
0x175: {  	[tilespmem:s15], [sflag:$0x2] =	stream.indirect.gather [hbm4b:s4+s12], $0x80, s8, s12, $0xb8;
	[tilespmem:$0x1D000] =	vst v63  }
0x176: {  	s9 =	rddreg [dreg:$0x9]  }
0x177: {  	[spmem:s2] =	stream.indirect.scatter.add.f32 [tilespmem:s13], [sflag:$0x3], $0x80, s9, s12, $0xb8;
	[tilespmem:$0x1D000] =	vst v63  }
0x178: {  	_ =	swait.ge [sflag:s10], $0x4000  }
0x179: {  	[sflag:s10] =	ssyncset.done $0x0  }
0x17a: {  	[sflag:s10] =	ssyncadd.s32 $0xFFFFC000  }
0x17b: {  	_ =	swait.ge [sflag:s16], $0x4000  }
0x17c: {  	[sflag:s16] =	ssyncset.done $0x0  }
0x17d: {  	s8 =	rddreg [dreg:$0xa];
	[sflag:s16] =	ssyncadd.s32 $0xFFFFC000  }
0x17e: {  	[tilespmem:s13], [sflag:$0x1] =	stream.indirect.gather [hbm4b:s4+s12], $0x80, s8, s12, $0xb8;
	[tilespmem:$0x1D000] =	vst v63  }
0x17f: {  	s9 =	rddreg [dreg:$0xb]  }
0x180: {  	[spmem:s2] =	stream.indirect.scatter.add.f32 [tilespmem:s15], [sflag:$0x3], $0x80, s9, s12, $0xb8;
	[tilespmem:$0x1D000] =	vst v63  }
0x181: {  	_ =	swait.ge [sflag:s10], $0x4000  }
0x182: {  	[sflag:s10] =	ssyncset.done $0x0  }
0x183: {  	[sflag:s10] =	ssyncadd.s32 $0xFFFFC000  }
0x184: {  	_ =	swait.ge [sflag:s14], $0x4000  }
0x185: {  	[sflag:s14] =	ssyncset.done $0x0  }
0x186: {  	s8 =	rddreg [dreg:$0xc];
	[sflag:s14] =	ssyncadd.s32 $0xFFFFC000  }
0x187: {  	[tilespmem:s15], [sflag:$0x2] =	stream.indirect.gather [hbm4b:s4+s12], $0x80, s8, s12, $0xb8;
	[tilespmem:$0x1D000] =	vst v63  }
0x188: {  	s9 =	rddreg [dreg:$0xd]  }
0x189: {  	[spmem:s2] =	stream.indirect.scatter.add.f32 [tilespmem:s13], [sflag:$0x3], $0x80, s9, s12, $0xb8;
	[tilespmem:$0x1D000] =	vst v63  }
0x18a: {  	_ =	swait.ge [sflag:s10], $0x4000  }
0x18b: {  	[sflag:s10] =	ssyncset.done $0x0  }
0x18c: {  	[sflag:s10] =	ssyncadd.s32 $0xFFFFC000  }
0x18d: {  	_ =	swait.ge [sflag:s16], $0x4000  }
0x18e: {  	[sflag:s16] =	ssyncset.done $0x0  }
0x18f: {  	s8 =	rddreg [dreg:$0xe];
	[sflag:s16] =	ssyncadd.s32 $0xFFFFC000  }
0x190: {  	[tilespmem:s13], [sflag:$0x1] =	stream.indirect.gather [hbm4b:s4+s12], $0x80, s8, s12, $0xb8;
	[tilespmem:$0x1D000] =	vst v63  }
0x191: {  	s9 =	rddreg [dreg:$0xf]  }
0x192: {  	[spmem:s2] =	stream.indirect.scatter.add.f32 [tilespmem:s15], [sflag:$0x3], $0x80, s9, s12, $0xb8;
	[tilespmem:$0x1D000] =	vst v63  }
0x193: {  	_ =	swait.ge [sflag:s10], $0x4000  }
0x194: {  	[sflag:s10] =	ssyncset.done $0x0  }
0x195: {  	[sflag:s10] =	ssyncadd.s32 $0xFFFFC000  }
0x196: {  	_ =	swait.ge [sflag:s14], $0x4000  }
0x197: {  	[sflag:s14] =	ssyncset.done $0x0  }
0x198: {  	s7 =	rddreg [dreg:$0x10];
	[sflag:s14] =	ssyncadd.s32 $0xFFFFC000  }
0x199: {  	[tilespmem:s15], [sflag:$0x2] =	stream.indirect.gather [hbm4b:s4+s12], $0x80, s7, s12, $0xb8;
	[tilespmem:$0x1D000] =	vst v63  }
0x19a: {  	s8 =	rddreg [dreg:$0x11]  }
0x19b: {  	[spmem:s2] =	stream.indirect.scatter.add.f32 [tilespmem:s13], [sflag:$0x3], $0x80, s8, s12, $0xb8;
	[tilespmem:$0x1D000] =	vst v63  }
0x19c: {  	_ =	swait.ge [sflag:s10], $0x4000  }
0x19d: {  	[sflag:s10] =	ssyncset.done $0x0  }
0x19e: {  	[sflag:s10] =	ssyncadd.s32 $0xFFFFC000  }
0x19f: {  	_ =	swait.ge [sflag:s16], $0x4000  }
0x1a0: {  	[sflag:s16] =	ssyncset.done $0x0  }
0x1a1: {  	[sflag:s16] =	ssyncadd.s32 $0xFFFFC000  }
0x1a2: {  	[tilespmem:s13], [sflag:$0x1] =	stream.indirect.gather [hbm4b:s4+s12], $0x80, s17, s12, $0xb8;
	[tilespmem:$0x1D000] =	vst v63  }
0x1a3: {  	_ = 	snop  }
0x1a4: {  	[spmem:s2] =	stream.indirect.scatter.add.f32 [tilespmem:s15], [sflag:$0x3], $0x80, s18, s12, $0xb8;
	[tilespmem:$0x1D000] =	vst v63  }
0x1a5: {  	_ =	swait.ge [sflag:s10], $0x4000  }
0x1a6: {  	[sflag:s10] =	ssyncset.done $0x0  }
0x1a7: {  	[sflag:s10] =	ssyncadd.s32 $0xFFFFC000  }
0x1a8: {  	_ =	swait.ge [sflag:s14], $0x4000  }
0x1a9: {  	[sflag:s14] =	ssyncset.done $0x0  }
0x1aa: {  	[sflag:s14] =	ssyncadd.s32 $0xFFFFC000  }
0x1ab: {  	[tilespmem:s15], [sflag:$0x2] =	stream.indirect.gather [hbm4b:s4+s12], $0x80, s19, s12, $0xb8;
	[tilespmem:$0x1D000] =	vst v63  }
0x1ac: {  	_ = 	snop  }
0x1ad: {  	[spmem:s2] =	stream.indirect.scatter.add.f32 [tilespmem:s13], [sflag:$0x3], $0x80, s20, s12, $0xb8;
	[tilespmem:$0x1D000] =	vst v63  }
0x1ae: {  	_ =	swait.ge [sflag:s10], $0x4000  }
0x1af: {  	[sflag:s10] =	ssyncset.done $0x0  }
0x1b0: {  	[sflag:s10] =	ssyncadd.s32 $0xFFFFC000  }
0x1b1: {  	_ =	swait.ge [sflag:s16], $0x4000  }
0x1b2: {  	[sflag:s16] =	ssyncset.done $0x0  }
0x1b3: {  	[sflag:s16] =	ssyncadd.s32 $0xFFFFC000  }
0x1b4: {  	[tilespmem:s13], [sflag:$0x1] =	stream.indirect.gather [hbm4b:s4+s12], $0x80, s21, s12, $0xb8;
	[tilespmem:$0x1D000] =	vst v63  }
0x1b5: {  	_ = 	snop  }
0x1b6: {  	[spmem:s2] =	stream.indirect.scatter.add.f32 [tilespmem:s15], [sflag:$0x3], $0x80, s22, s12, $0xb8;
	[tilespmem:$0x1D000] =	vst v63  }
0x1b7: {  	_ =	swait.ge [sflag:s10], $0x4000  }
0x1b8: {  	[sflag:s10] =	ssyncset.done $0x0  }
0x1b9: {  	[sflag:s10] =	ssyncadd.s32 $0xFFFFC000  }
0x1ba: {  	_ =	swait.ge [sflag:s14], $0x4000  }
0x1bb: {  	[sflag:s14] =	ssyncset.done $0x0  }
0x1bc: {  	[sflag:s14] =	ssyncadd.s32 $0xFFFFC000  }
0x1bd: {  	[tilespmem:s15], [sflag:$0x2] =	stream.indirect.gather [hbm4b:s4+s12], $0x80, s23, s12, $0xb8;
	[tilespmem:$0x1D000] =	vst v63  }
0x1be: {  	_ = 	snop  }
0x1bf: {  	[spmem:s2] =	stream.indirect.scatter.add.f32 [tilespmem:s13], [sflag:$0x3], $0x80, s24, s12, $0xb8;
	[tilespmem:$0x1D000] =	vst v63  }
0x1c0: {  	_ =	swait.ge [sflag:s10], $0x4000  }
0x1c1: {  	[sflag:s10] =	ssyncset.done $0x0  }
0x1c2: {  	[sflag:s10] =	ssyncadd.s32 $0xFFFFC000  }
0x1c3: {  	_ =	swait.ge [sflag:s16], $0x4000  }
0x1c4: {  	[sflag:s16] =	ssyncset.done $0x0  }
0x1c5: {  	[sflag:s16] =	ssyncadd.s32 $0xFFFFC000  }
0x1c6: {  	[tilespmem:s13], [sflag:$0x1] =	stream.indirect.gather [hbm4b:s4+s12], $0x80, s25, s12, $0xb8;
	[tilespmem:$0x1D000] =	vst v63  }
0x1c7: {  	_ = 	snop  }
0x1c8: {  	[spmem:s2] =	stream.indirect.scatter.add.f32 [tilespmem:s15], [sflag:$0x3], $0x80, s26, s12, $0xb8;
	[tilespmem:$0x1D000] =	vst v63  }
0x1c9: {  	_ =	swait.ge [sflag:s10], $0x4000  }
0x1ca: {  	[sflag:s10] =	ssyncset.done $0x0  }
0x1cb: {  	[sflag:s10] =	ssyncadd.s32 $0xFFFFC000  }
0x1cc: {  	_ =	swait.ge [sflag:s14], $0x4000  }
0x1cd: {  	[sflag:s14] =	ssyncset.done $0x0  }
0x1ce: {  	[sflag:s14] =	ssyncadd.s32 $0xFFFFC000  }
0x1cf: {  	[tilespmem:s15], [sflag:$0x2] =	stream.indirect.gather [hbm4b:s4+s12], $0x80, s28, s12, $0xb8;
	[tilespmem:$0x1D000] =	vst v63  }
0x1d0: {  	_ = 	snop  }
0x1d1: {  	[spmem:s2] =	stream.indirect.scatter.add.f32 [tilespmem:s13], [sflag:$0x3], $0x80, s29, s12, $0xb8;
	[tilespmem:$0x1D000] =	vst v63  }
0x1d2: {  	_ =	swait.ge [sflag:s10], $0x4000  }
0x1d3: {  	[sflag:s10] =	ssyncset.done $0x0  }
0x1d4: {  	[sflag:s10] =	ssyncadd.s32 $0xFFFFC000  }
0x1d5: {  	_ =	swait.ge [sflag:s16], $0x4000  }
0x1d6: {  	[sflag:s16] =	ssyncset.done $0x0  }
0x1d7: {  	[sflag:s16] =	ssyncadd.s32 $0xFFFFC000  }
0x1d8: {  	[tilespmem:s13], [sflag:$0x1] =	stream.indirect.gather [hbm4b:s4+s12], $0x80, s30, s12, $0xb8;
	[tilespmem:$0x1D000] =	vst v63  }
0x1d9: {  	_ = 	snop  }
0x1da: {  	[spmem:s2] =	stream.indirect.scatter.add.f32 [tilespmem:s15], [sflag:$0x3], $0x80, s31, s12, $0xb8;
	[tilespmem:$0x1D000] =	vst v63  }
0x1db: {  	_ =	swait.ge [sflag:s10], $0x4000  }
0x1dc: {  	[sflag:s10] =	ssyncset.done $0x0  }
0x1dd: {  	[sflag:s10] =	ssyncadd.s32 $0xFFFFC000  }
0x1de: {  	_ =	swait.ge [sflag:s14], $0x4000  }
0x1df: {  	[sflag:s14] =	ssyncset.done $0x0  }
0x1e0: {  	[sflag:s14] =	ssyncadd.s32 $0xFFFFC000  }
0x1e1: {  	[tilespmem:s15], [sflag:$0x2] =	stream.indirect.gather [hbm4b:s4+s12], $0x80, s1, s12, $0xb8;
	[tilespmem:$0x1D000] =	vst v63  }
0x1e2: {  	_ = 	snop  }
0x1e3: {  	[spmem:s2] =	stream.indirect.scatter.add.f32 [tilespmem:s13], [sflag:$0x3], $0x80, s0, s12, $0xb8;
	[tilespmem:$0x1D000] =	vst v63  }
0x1e4: {  	_ =	swait.ge [sflag:s10], $0x4000  }
0x1e5: {  	[sflag:s10] =	ssyncset.done $0x0  }
0x1e6: {  	[sflag:s10] =	ssyncadd.s32 $0xFFFFC000  }
0x1e7: {  	_ =	swait.ge [sflag:s16], $0x4000  }
0x1e8: {  	[sflag:s16] =	ssyncset.done $0x0  }
0x1e9: {  	[sflag:s16] =	ssyncadd.s32 $0xFFFFC000  }
0x1ea: {  	[spmem:s2] =	stream.indirect.scatter.add.f32 [tilespmem:s15], [sflag:$0x3], $0x80, s5, s12, $0xb8;
	[tilespmem:$0x1D000] =	vst v63  }
0x1eb: {  	_ =	swait.ge [sflag:s10], $0x4000  }
0x1ec: {  	[sflag:s10] =	ssyncset.done $0x0  }
0x1ed: {  	[sflag:s10] =	ssyncadd.s32 $0xFFFFC000  }
0x1ee: {  	[bflag:$0x0] =	sbarrier.arrive $0xFFFF  }
0x1ef: {  	s7 =	rddreg [dreg:$0x13]  }
0x1f0: {  	s9 =	rddreg [dreg:$0x14]  }
0x1f1: {  	s8 =	rddreg [dreg:$0x16]  }
0x1f2: {  	[hbm:s9], [sflag:s7] =	dma.local [spmem:s8], $0x2800  }
0x1f3: {  	_ =	swait.ge [sflag:s10], $0x2800  }
0x1f4: {  	s6 =	rddreg [dreg:$0x17]  }
0x1f5: {  	s9 =	sadd.s32 $0x1, s6;
	s6 =	rddreg [dreg:$0x15]  }
0x1f6: {  	p0 =	sne.s32 s9, s6  }
.Ltmp1:
0x1f7: {  	_ = 	snop;
	(pc) =	sbr.rel @p0 .LBB2_1-.Ltmp1, $3  }
0x1f8: {  	_ =	sdelay $0x1  }
0x1f9: {  	[sflag:s10] =	ssyncset.done $0x0  }
0x1fa: {  	[sflag:s10] =	ssyncadd.s32 $0xFFFFD800  }
0x1fb: {  	_ =	sfence.sel $0x180000  }
0x1fc: {  	[bflag:$0x0] =	sbarrier.arrive $0xFFFF  }
0x1fd: {  	_ =	strace $0x9000004D  }
0x1fe: {  	s0 =	stileid.u32;
	[bflag:$0x2] =	sbarrier.arrive $0xFFFF  }
0x1ff: {  	p0 =	sne.s32 s0, $0x0;
	s0 =	rddreg [dreg:$0x3]  }
0x200: {  	s0 =	sadd.s32 @!p0 $0x100000, s0  }
0x201: {  	[sflag:s0] =	ssyncadd.tile.s32 @!p0 $0x1;
	_ =	shalt  }
.Lfunc_end2:
_tile_overlayer_lowered:
.L_overlay_start_2:
0x202: {  	(tag) =	ssettag $0x2  }
0x203: {  	s0 =	rddreg [dreg:$0x0];
	s2 =	stileid.u32  }
0x204: {  	s1 =	rddreg [dreg:$0x1];
	p0 =	sne.s32 s2, $0x0  }
0x205: {  	s3 =	rddreg [dreg:$0x2];
	[bflag:$0x3] =	sbarrier.arrive $0xFFFF;
	s2 =	simm.s32 @!p0 $0x1C03  }
0x206: {  	[timem:s3], [sflag:s2] =	dma.local @!p0 [hbm:s0], s1  }
0x207: {  	s0 =	simm.s32 @!p0 $0x3  }
0x208: {  	_ =	swait.ge @!p0 [sflag:s0], s1  }
0x209: {  	s1 =	ssub.s32 @!p0 $0x0, s1;
	[sflag:s0] =	ssyncset.done @!p0 $0x0  }
0x20a: {  	[sflag:s0] =	ssyncadd.s32 @!p0 s1  }
0x20b: {  	[bflag:$0x3] =	sbarrier.arrive $0xFFFF  }
0x20c: {  	_ =	shalt  }

// kernel: kernel.8.cloned.1.call-start
scs
__scs_entry_jumppad:
0x0: {  	(pc) =	sbr.rel $0x88, $3  }
0x1: {  	(tag) =	ssettag $0x0;
	lr =	simm.s32 $0x1  }
0x2: {  	[smem:$0x3F9B] =	sst lr;
	_ =	strace $0xD0000000  }
0x3: {  	_ = 	snop  }
0x4: {  	_ = 	snop  }
0x5: {  	_ = 	snop  }
0x6: {  	_ = 	snop  }
0x7: {  	_ = 	snop  }
__scs_overlays_trampoline_lowered:
0x8: {  	[smem:$0x3FAA] =	sst s0  }
0x9: {  	[smem:$0x3FAB] =	sst s1  }
0xa: {  	[smem:$0x3FAC] =	sst s2  }
0xb: {  	[smem:$0x3FAD] =	sst s3  }
0xc: {  	[smem:$0x3FAE] =	sst s4  }
0xd: {  	[smem:$0x3FAF] =	sst s5  }
0xe: {  	[smem:$0x3FB0] =	sst s6  }
0xf: {  	[smem:$0x3FB1] =	sst s7  }
0x10: {  	[smem:$0x3FB2] =	sst s8  }
0x11: {  	[smem:$0x3FB3] =	sst s9;
	s0 =	simm.s32 @!p0 $0x0  }
0x12: {  	s1 =	sld [smem:$0x3F99];
	s0 =	simm.s32 @p0 $0x1  }
0x13: {  	[smem:$0x3FB4] =	sst s0;
	s0 =	simm.s32 @!p1 $0x0  }
0x14: {  	s2 =	sld [smem:$0x3F98];
	s0 =	simm.s32 @p1 $0x1  }
0x15: {  	[smem:$0x3FB5] =	sst s0;
	s0 =	simm.s32 @!p2 $0x0  }
0x16: {  	s3 =	sld [smem:$0x3FDB];
	s0 =	simm.s32 @p2 $0x1  }
0x17: {  	s4 =	simm.s32 $0x1BF5;
	[smem:$0x3FB7] =	sst s0  }
0x18: {  	s0 =	sld [smem:$0x3F9A];
	_ =	swait.ge [sflag:s4], $0x0  }
0x19: {  	s7 =	sld [smem:$0x3F9B]  }
0x1a: {  	s8 =	sadd.s32 $0xFFFFE003, lr  }
0x1b: {  	s9 =	sadd.s32 $0xFFFFFEF7, lr;
	s5 =	simm.s32 $0xFFFFFFFF;
	p2 =	slt.u32 s8, $0xFFFFF086  }
0x1c: {  	p1 =	slt.u32 s9, $0xF7A;
	s5 =	simm.s32 @!p2 $0x0  }
0x1d: {  	s5 =	simm.s32 @p1 $0x1;
	p0 =	seq.s32 s7, s2  }
0x1e: {  	s7 =	smul.u32 @!p0 $0xF7A, s2;
	p2 =	seq.s32 @!p0 s5, $0x0  }
0x1f: {  	s9 =	smul.u32 $0xF7A, s1;
	s8 =	simm.s32 @!p0 $0x1BF5;
	p2 =	por !p2, p0  }
0x20: {  	[sflag:s8] =	ssyncset.s32 @!p0 $0xFFFFF086;
	s6 =	sadd.s32 @!p0 s3, s7;
	s7 =	simm.s32 @!p0 $0x108  }
0x21: {  	s3 =	sadd.s32 s3, s9;
	s6 =	sadd.s32 @!p0 $0x88, s6;
	s7 =	simm.s32 @p2 $0x1082  }
0x22: {  	[simem:s7], [sflag:s8] =	dma.local @!p0 [hbm:s6], $0xF7A  }
0x23: {  	s9 =	sor.u32 $0xD0000000, s2;
	s6 =	simm.s32 $0x108;
	_ =	swait.ge @!p0 [sflag:s8], $0x0  }
0x24: {  	s3 =	sadd.s32 $0x88, s3;
	s6 =	simm.s32 @!p1 $0x1082;
	[sflag:s4] =	ssyncset.s32 $0xFFFFF086  }
0x25: {  	[simem:s6], [sflag:s4] =	dma.local [hbm:s3], $0xF7A  }
0x26: {  	[smem:$0x3F9B] =	sst s1;
	(tag) =	ssettag s2;
	_ =	strace s9  }
0x27: {  	s1 =	sld [smem:$0x3FAB]  }
0x28: {  	s2 =	sld [smem:$0x3FAC]  }
0x29: {  	s4 =	sld [smem:$0x3FAE]  }
0x2a: {  	p0 =	seq.s32 s5, $0x0;
	s5 =	sld [smem:$0x3FAF]  }
0x2b: {  	s6 =	sld [smem:$0x3FB0]  }
0x2c: {  	s7 =	sld [smem:$0x3FB1]  }
0x2d: {  	s3 =	simm.s32 $0x108;
	s8 =	sld [smem:$0x3FB2]  }
0x2e: {  	s3 =	simm.s32 @!p0 $0x1082;
	s9 =	sld [smem:$0x3FB3]  }
0x2f: {  	lr =	sadd.s32 s0, s3;
	s0 =	sld [smem:$0x3FAA]  }
0x30: {  	s3 =	sld [smem:$0x3FAD]  }
0x31: {  	[smem:$0x3FB6] =	sst s10  }
0x32: {  	s10 =	sld [smem:$0x3FB4];
	_ =	sdelay $0x3  }
0x33: {  	p0 =	seq.s32 s10, $0x1;
	s10 =	sld [smem:$0x3FB6];
	_ =	sdelay $0x3  }
0x34: {  	[smem:$0x3FB6] =	sst s10  }
0x35: {  	s10 =	sld [smem:$0x3FB5];
	_ =	sdelay $0x3  }
0x36: {  	p1 =	seq.s32 s10, $0x1;
	s10 =	sld [smem:$0x3FB6];
	_ =	sdelay $0x3  }
0x37: {  	[smem:$0x3FB6] =	sst s10  }
0x38: {  	s10 =	sld [smem:$0x3FB7]  }
0x39: {  	_ = 	snop;
	(pc) =	sbr.ind lr, $3  }
0x3a: {  	_ = 	snop  }
0x3b: {  	_ = 	snop  }
0x3c: {  	p2 =	seq.s32 s10, $0x1;
	s10 =	sld [smem:$0x3FB6]  }
0x3d: {  	_ =	shalt  }
0x3e: {  	_ =	shalt  }
0x3f: {  	_ =	shalt  }
0x40: {  	_ =	shalt  }
0x41: {  	_ =	shalt  }
0x42: {  	_ =	shalt  }
0x43: {  	_ =	shalt  }
0x44: {  	_ =	shalt  }
0x45: {  	_ =	shalt  }
0x46: {  	_ =	shalt  }
0x47: {  	_ =	shalt  }
0x48: {  	_ =	shalt  }
0x49: {  	_ =	shalt  }
0x4a: {  	_ =	shalt  }
0x4b: {  	_ =	shalt  }
0x4c: {  	_ =	shalt  }
0x4d: {  	_ =	shalt  }
0x4e: {  	_ =	shalt  }
0x4f: {  	_ =	shalt  }
0x50: {  	_ =	shalt  }
0x51: {  	_ =	shalt  }
0x52: {  	_ =	shalt  }
0x53: {  	_ =	shalt  }
0x54: {  	_ =	shalt  }
0x55: {  	_ =	shalt  }
0x56: {  	_ =	shalt  }
0x57: {  	_ =	shalt  }
0x58: {  	_ =	shalt  }
0x59: {  	_ =	shalt  }
0x5a: {  	_ =	shalt  }
0x5b: {  	_ =	shalt  }
0x5c: {  	_ =	shalt  }
0x5d: {  	_ =	shalt  }
0x5e: {  	_ =	shalt  }
0x5f: {  	_ =	shalt  }
0x60: {  	_ =	shalt  }
0x61: {  	_ =	shalt  }
0x62: {  	_ =	shalt  }
0x63: {  	_ =	shalt  }
0x64: {  	_ =	shalt  }
0x65: {  	_ =	shalt  }
0x66: {  	_ =	shalt  }
0x67: {  	_ =	shalt  }
0x68: {  	_ =	shalt  }
0x69: {  	_ =	shalt  }
0x6a: {  	_ =	shalt  }
0x6b: {  	_ =	shalt  }
0x6c: {  	_ =	shalt  }
0x6d: {  	_ =	shalt  }
0x6e: {  	_ =	shalt  }
0x6f: {  	_ =	shalt  }
0x70: {  	_ =	shalt  }
0x71: {  	_ =	shalt  }
0x72: {  	_ =	shalt  }
0x73: {  	_ =	shalt  }
0x74: {  	_ =	shalt  }
0x75: {  	_ =	shalt  }
0x76: {  	_ =	shalt  }
0x77: {  	_ =	shalt  }
0x78: {  	_ =	shalt  }
0x79: {  	_ =	shalt  }
0x7a: {  	_ =	shalt  }
0x7b: {  	_ =	shalt  }
0x7c: {  	_ =	shalt  }
0x7d: {  	_ =	shalt  }
0x7e: {  	_ =	shalt  }
0x7f: {  	_ =	shalt  }
0x80: {  	_ =	shalt  }
0x81: {  	_ =	shalt  }
0x82: {  	_ =	shalt  }
0x83: {  	_ =	shalt  }
0x84: {  	_ =	shalt  }
0x85: {  	_ =	shalt  }
0x86: {  	_ =	shalt  }
0x87: {  	_ =	shalt  }
.Lfunc_end0:
.L_simem_size_0:
called_computation_lowered:
.L_overlay_start_0:
0x88: {  	s2 =	sld [smem:$0x3FD9]  }
0x89: {  	s3 =	sld [smem:$0x3FFE];
	_ =	sdelay $0x1  }
0x8a: {  	s1 =	srdreg.scid  }
0x8b: {  	s0 =	sand.u32 $0x1, s1  }
0x8c: {  	s17 =	sshll.u32 s0, $0xA;
	s2 =	sadd.s32 s3, s2  }
0x8d: {  	s2 =	sadd.s32 s2, s17  }
0x8e: {  	[smem:$0x3FC2] =	sst s2  }
0x8f: {  	_ = 	snop  }
0x90: {  	s2 =	sld [smem:$0x3FD0];
	(tm) =	ssettm $0x1  }
0x91: {  	s18 =	sld [smem:$0x3FFB];
	_ =	sdelay $0x3  }
0x92: {  	_ =	strace s18  }
0x93: {  	s3 =	sld [smem:$0x3FFC];
	_ =	sdelay $0x3  }
0x94: {  	_ =	strace s3  }
0x95: {  	s3 =	sld [smem:$0x3FFD];
	_ =	sdelay $0x3  }
0x96: {  	_ =	strace s3  }
0x97: {  	_ =	strace $0x8FFFFFFF  }
0x98: {  	s19 =	sld [smem:$0x3FDB];
	_ =	sdelay $0x1  }
0x99: {  	s4 =	simm.s32 $_scs_section_size  }
0x9a: {  	s5 =	simm.s32 $_size__tile_overlayer_lowered;
	s6 =	simm.s32 $_tile_overlayer_lowered  }
0x9b: {  	s22 =	simm.s32 $0x1BFF;
	s21 =	sshll.u32 s6, $0x1;
	s3 =	sadd.s32 s4, s19  }
0x9c: {  	s7 =	simm.s32 $0x0;
	s20 =	sshll.u32 s5, $0x1;
	s5 =	sadd.s32 s21, s3  }
0x9d: {  	[timem:s7], [sflag:s22] =	dma.local [hbm:s5], s20  }
0x9e: {  	_ =	swait.ge [sflag:s22], s20  }
0x9f: {  	s4 =	ssub.s32 $0x0, s20;
	[sflag:s22] =	ssyncset.done $0x0  }
0xa0: {  	[sflag:s22] =	ssyncadd.s32 s4;
	_ =	sdelay $0x1  }
0xa1: {  	s23 =	simm.s32 $0x1B8B  }
0xa2: {  	_ =	swait.ge [sflag:s23], $0x1  }
0xa3: {  	[sflag:s23] =	ssyncset.done $0x0  }
0xa4: {  	s25 =	simm.s32 $0x1B8E;
	s24 =	sld [smem:$0x3FFE];
	[sflag:s23] =	ssyncadd.s32 $0xFFFFFFFF  }
0xa5: {  	s26 =	simm.s32 $execute0_lowered;
	[smem:$0x3FD2] =	sst s25  }
0xa6: {  	s5 =	sshll.u32 s26, $0x1;
	_ =	strace $0x80000046;
	[dreg:$0x1] =	wrdreg $0xFFFFFFFF  }
0xa7: {  	s28 =	simm.s32 $_size_execute0_lowered;
	s3 =	sadd.s32 s3, s5;
	[dreg:$0x0] =	wrdreg $0x0  }
0xa8: {  	s5 =	sshll.u32 s28, $0x1;
	[dreg:$0x2] =	wrdreg s3  }
0xa9: {  	[dreg:$0x3] =	wrdreg s5  }
0xaa: {  	[dreg:$0x4] =	wrdreg $0xC0  }
0xab: {  	_ =	task [dreg:s7], $0x5FFFF  }
0xac: {  	[dreg:$0x1] =	wrdreg $0xFFFFFFFF  }
0xad: {  	[dreg:$0x0] =	wrdreg $0x60  }
0xae: {  	[dreg:$0x2] =	wrdreg s2  }
0xaf: {  	[dreg:$0x3] =	wrdreg s24  }
0xb0: {  	[dreg:$0x4] =	wrdreg $0x68000  }
0xb1: {  	[dreg:$0x5] =	wrdreg $0x9  }
0xb2: {  	_ =	task.clear_ibuf [dreg:s7], $0x6FFFF;
	_ =	strace $0x90000046  }
0xb3: {  	s29 =	simm.s32 $0x9;
	_ =	strace $0x80000048  }
0xb4: {  	_ =	swait.ge [sflag:s29], $0x1  }
0xb5: {  	[sflag:s29] =	ssyncadd.s32 $0xFFFFFFFF  }
0xb6: {  	_ =	strace $0x90000048  }
0xb7: {  	_ =	sfence  }
0xb8: {  	s30 =	sld [smem:$0x0];
	_ =	sdelay $0x2  }
0xb9: {  	s31 =	sshll.u32 s1, $0xD;
	s1 =	sshrl.u32 s1, $0x2  }
0xba: {  	s3 =	sand.u32 $0x4000, s31;
	s1 =	sadd.s32 s1, s30  }
0xbb: {  	s0 =	sor.u32 s3, s0;
	s1 =	sshll.u32 s1, $0x11  }
0xbc: {  	s0 =	sor.u32 s1, s0  }
0xbd: {  	s0 =	sadd.s32 $0x8F2B, s0  }
0xbe: {  	[sflag:s0] =	ssyncadd.remote.s32 $0x1  }
0xbf: {  	_ =	sfence.sel $0xFFFF  }
0xc0: {  	[dreg:$0x0] =	wrdreg $0xFFFFFFFF;
	(pc) =	sbr.abs _section_cstart, $3  }
0xc1: {  	[dreg:$0x1] =	wrdreg $0xFFFFFFFF  }
0xc2: {  	_ =	task.clear_ibuf [dreg:s7], $0x2FFFF;
	_ =	strace $0x9FFFFFFF  }
0xc3: {  	(tm) =	ssettm $0x7FFFFFFF  }
tec
execute0_lowered:
.L_overlay_start_1:
0x0: {  	(tag) =	ssettag $0x1  }
0x1: {  	s5 =	rddreg [dreg:$0x0]  }
0x2: {  	s6 =	rddreg [dreg:$0x1]  }
0x3: {  	s2 =	rddreg [dreg:$0x2]  }
0x4: {  	s0 =	rddreg [dreg:$0x3]  }
0x5: {  	s3 =	simm.s32 $0x0;
	s1 =	stileid.u32;
	s4 =	srdreg.scid  }
0x6: {  	s13 =	simm.s32 $0x80;
	s14 =	simm.s32 $0x1;
	s15 =	simm.s32 $0x0  }
0x7: {  	s7 =	smul.u32 $0x2800, s1;
	s8 =	sand.u32 $0x1, s4;
	s28 =	sshll.u32 s1, $0x1  }
0x8: {  	[smem:$0x7FF] =	sst s3;
	s4 =	sadd.s32 $0xC200, s6;
	s11 =	smul.u32 $0x50000, s1  }
0x9: {  	s31 =	sshll.u32 s1, $0x6;
	s9 =	smul.u32 $0x28000, s8;
	s10 =	sor.u32 s8, s28  }
0xa: {  	_ =	strace $0x80000047;
	s8 =	ssub.s32 $0x2, s8;
	s10 =	smul.u32 $0x500, s10  }
0xb: {  	s29 =	sshrl.u32 s8, $0x1;
	s30 =	sshrl.u32 s11, $0x2;
	s11 =	sor.u32 $0x1C02, s31  }
0xc: {  	s9 =	sadd.s32 s7, s9;
	s7 =	sadd.s32 s7, s6;
	s8 =	ssub.s32 s8, s29  }
0xd: {  	s12 =	sadd.s32 s30, s2;
	s9 =	sadd.s32 s9, s6;
	s5 =	sadd.s32 s5, s10  }
0xe: {  	s6 =	sadd.s32 $0xCA00, s7;
	s8 =	smax.u32 s8, $0x1;
	s10 =	simm.s32 $0x2800  }
0xf: {  	s12 =	sshrl.u32 s12, $0x3;
	s7 =	sadd.s32 $0x34A00, s9;
	s9 =	simm.s32 $0x2  }
.LBB2_1:
0x10: {  	[tilespmem:s3], [sflag:$0x2] =	stream.linear.gather [hbm4b:s5+s3], $0x2800, $0x38;
	[tilespmem:$0x1A800] =	vst v63  }
0x11: {  	_ =	swait.ge [sflag:s9], $0x2800  }
0x12: {  	[sflag:s9] =	ssyncset.done $0x0  }
0x13: {  	[sflag:s9] =	ssyncadd.s32 $0xFFFFD800  }
0x14: {  	[tilespmem:s10], [sflag:$0x2] =	stream.linear.gather [hbm4b:s4+s3], $0x4000, $0x38;
	[tilespmem:$0x1A800] =	vst v63  }
0x15: {  	_ =	swait.ge [sflag:s9], $0x4000  }
0x16: {  	[sflag:s9] =	ssyncset.done $0x0  }
0x17: {  	[sflag:s9] =	ssyncadd.s32 $0xFFFFC000  }
0x18: {  	[spmem:s12], [sflag:s11] =	dma.local [hbm:s6], $0x2800  }
0x19: {  	_ =	swait.ge [sflag:s9], $0x2800  }
0x1a: {  	[sflag:s9] =	ssyncset.done $0x0  }
0x1b: {  	[sflag:s9] =	ssyncadd.s32 $0xFFFFD800  }
0x1c: {  	s16 =	simm.s32 $0x0;
	[bflag:$0x0] =	sbarrier.arrive $0xFFFF  }
.LBB2_2:
0x1d: {  	p0 =	sne.s32 s16, $0x9E00  }
.Ltmp0:
0x1e: {  	_ = 	snop;
	(pc) =	sbr.rel @p0 .LBB2_2-.Ltmp0, $3  }
0x1f: {  	_ =	sdelay $0x1  }
0x20: {  	s17 =	sshra.s32 s16, $0x2;
	s16 =	sadd.s32 $0x200, s16  }
0x21: {  	[spmem:s2] =	stream.indirect.scatter.add.f32 [tilespmem:s10], [sflag:$0x1], $0x80, s17, s13, $0xb8;
	[tilespmem:$0x1A800] =	vst v63  }
0x22: {  	_ =	swait.ge [sflag:s14], $0x4000  }
0x23: {  	s16 =	simm.s32 $0x4F;
	[sflag:s14] =	ssyncset.done $0x0  }
.LBB2_4:
0x24: {  	p0 =	sne.s32 s16, $0x1;
	s16 =	sadd.s32 $0xFFFFFFFF, s16;
	[sflag:s14] =	ssyncadd.s32 $0xFFFFC000  }
.Ltmp1:
0x25: {  	(pc) =	sbr.rel @p0 .LBB2_4-.Ltmp1, $3  }
0x26: {  	_ =	sdelay $0x1  }
0x27: {  	_ =	swait.ge [sflag:s14], $0x4000  }
0x28: {  	[sflag:s14] =	ssyncset.done $0x0  }
0x29: {  	s15 =	sadd.s32 $0x1, s15  }
0x2a: {  	[sflag:s14] =	ssyncadd.s32 $0xFFFFC000;
	p0 =	sne.s32 s15, s8  }
.Ltmp2:
0x2b: {  	[bflag:$0x0] =	sbarrier.arrive $0xFFFF;
	(pc) =	sbr.rel @p0 .LBB2_1-.Ltmp2, $4  }
0x2c: {  	[hbm:s7], [sflag:s11] =	dma.local [spmem:s12], $0x2800  }
0x2d: {  	_ =	swait.ge [sflag:s9], $0x2800  }
0x2e: {  	[sflag:s9] =	ssyncset.done $0x0  }
0x2f: {  	[sflag:s9] =	ssyncadd.s32 $0xFFFFD800  }
0x30: {  	_ =	sfence.sel $0x180000  }
0x31: {  	[bflag:$0x0] =	sbarrier.arrive $0xFFFF  }
0x32: {  	p0 =	sne.s32 s1, $0x0;
	_ =	strace $0x90000047  }
0x33: {  	s0 =	sadd.s32 @!p0 $0x100000, s0;
	[bflag:$0x2] =	sbarrier.arrive $0xFFFF  }
0x34: {  	[sflag:s0] =	ssyncadd.tile.s32 @!p0 $0x1;
	_ =	shalt  }
.Lfunc_end2:
_tile_overlayer_lowered:
.L_overlay_start_2:
0x35: {  	(tag) =	ssettag $0x2  }
0x36: {  	s0 =	rddreg [dreg:$0x0];
	s2 =	stileid.u32  }
0x37: {  	s1 =	rddreg [dreg:$0x1];
	p0 =	sne.s32 s2, $0x0  }
0x38: {  	s3 =	rddreg [dreg:$0x2];
	[bflag:$0x3] =	sbarrier.arrive $0xFFFF;
	s2 =	simm.s32 @!p0 $0x1C02  }
0x39: {  	[timem:s3], [sflag:s2] =	dma.local @!p0 [hbm:s0], s1  }
0x3a: {  	s0 =	simm.s32 @!p0 $0x2  }
0x3b: {  	_ =	swait.ge @!p0 [sflag:s0], s1  }
0x3c: {  	s1 =	ssub.s32 @!p0 $0x0, s1;
	[sflag:s0] =	ssyncset.done @!p0 $0x0  }
0x3d: {  	[sflag:s0] =	ssyncadd.s32 @!p0 s1  }
0x3e: {  	[bflag:$0x3] =	sbarrier.arrive $0xFFFF  }
0x3f: {  	_ =	shalt  }

</sc_bundles>
